<compile_context>
chip_gen: v7x
topology: tpu7x:2x2x1
jax: 0.10.2.dev20260603
libtpu: 0.0.44.dev20260713+nightly
codegen_flags: <defaults>
</compile_context>

<pallas_src>
import functools

import jax
import jax.numpy as jnp
from jax import lax
from jax.experimental import pallas as pl
from jax.experimental.pallas import tpu as pltpu
from jax.experimental.pallas import tpu_sc as plsc

IN_F = 2048
HID = 8192
OUT_F = 2048
N_TOK = 4096
K_SEL = 2048

NC = 2
NS = 16
NW = NC * NS
ROWS_PER_W = K_SEL // NW
CHUNK = 16
NCHUNK = ROWS_PER_W // CHUNK


def _gather_rows_pipelined(tbl_hbm, out_hbm, base, idx_v, bufs, gsems, osems):
    gathers = [None, None]
    outs = [None, None]
    for t in range(NCHUNK):
        b = t % 2
        if outs[b] is not None:
            outs[b].wait()
        idxs = idx_v[pl.ds(t * CHUNK, CHUNK)]
        gathers[b] = pltpu.async_copy(tbl_hbm.at[idxs], bufs[b], gsems[b])
        if t > 0:
            pb = (t - 1) % 2
            gathers[pb].wait()
            outs[pb] = pltpu.async_copy(
                bufs[pb], out_hbm.at[pl.ds(base + (t - 1) * CHUNK, CHUNK)],
                osems[pb])
    lb = (NCHUNK - 1) % 2
    gathers[lb].wait()
    outs[lb] = pltpu.async_copy(
        bufs[lb], out_hbm.at[pl.ds(base + (NCHUNK - 1) * CHUNK, CHUNK)],
        osems[lb])
    outs[0].wait()
    outs[1].wait()


@functools.cache
def _get_sc_gather_w1b1():
    mesh = plsc.VectorSubcoreMesh(core_axis_name="c", subcore_axis_name="s",
                                  num_cores=NC, num_subcores=NS)

    @functools.partial(
        pl.kernel,
        out_type=(
            jax.ShapeDtypeStruct((K_SEL, IN_F), jnp.float32),
            jax.ShapeDtypeStruct((K_SEL,), jnp.float32),
        ),
        mesh=mesh,
        compiler_params=pltpu.CompilerParams(needs_layout_passes=False),
        scratch_types=[
            pltpu.VMEM((ROWS_PER_W,), jnp.int32),
            pltpu.VMEM((CHUNK, IN_F), jnp.float32),
            pltpu.VMEM((CHUNK, IN_F), jnp.float32),
            pltpu.VMEM((HID,), jnp.float32),
            pltpu.VMEM((ROWS_PER_W,), jnp.float32),
            pltpu.SemaphoreType.DMA,
            pltpu.SemaphoreType.DMA,
            pltpu.SemaphoreType.DMA,
            pltpu.SemaphoreType.DMA,
        ],
    )
    def _sc_gather(fc1_w_hbm, fc1_b_hbm, idx_hbm,
                   w1_out, b1_out,
                   idx_v, bufa, bufb, bias_v, bsel_v,
                   gsem_a, gsem_b, osem_a, osem_b):
        wid = lax.axis_index("s") * NC + lax.axis_index("c")
        base = wid * ROWS_PER_W
        pltpu.sync_copy(idx_hbm.at[pl.ds(base, ROWS_PER_W)], idx_v)

        pltpu.sync_copy(fc1_b_hbm, bias_v)
        for c in range(ROWS_PER_W // 16):
            idxs = idx_v[pl.ds(c * 16, 16)]
            bsel_v[pl.ds(c * 16, 16)] = plsc.load_gather(bias_v, [idxs])
        pltpu.sync_copy(bsel_v, b1_out.at[pl.ds(base, ROWS_PER_W)])

        _gather_rows_pipelined(fc1_w_hbm, w1_out, base, idx_v, (bufa, bufb),
                               (gsem_a, gsem_b), (osem_a, osem_b))

    return _sc_gather


@functools.cache
def _get_sc_gather_w2():
    mesh = plsc.VectorSubcoreMesh(core_axis_name="c", subcore_axis_name="s",
                                  num_cores=NC, num_subcores=NS)

    @functools.partial(
        pl.kernel,
        out_type=jax.ShapeDtypeStruct((K_SEL, OUT_F), jnp.float32),
        mesh=mesh,
        compiler_params=pltpu.CompilerParams(needs_layout_passes=False),
        scratch_types=[
            pltpu.VMEM((ROWS_PER_W,), jnp.int32),
            pltpu.VMEM((CHUNK, OUT_F), jnp.float32),
            pltpu.VMEM((CHUNK, OUT_F), jnp.float32),
            pltpu.SemaphoreType.DMA,
            pltpu.SemaphoreType.DMA,
            pltpu.SemaphoreType.DMA,
            pltpu.SemaphoreType.DMA,
        ],
    )
    def _sc_gather(fc2_w_hbm, idx_hbm, w2_out,
                   idx_v, bufa, bufb,
                   gsem_a, gsem_b, osem_a, osem_b):
        wid = lax.axis_index("s") * NC + lax.axis_index("c")
        base = wid * ROWS_PER_W
        pltpu.sync_copy(idx_hbm.at[pl.ds(base, ROWS_PER_W)], idx_v)
        _gather_rows_pipelined(fc2_w_hbm, w2_out, base, idx_v, (bufa, bufb),
                               (gsem_a, gsem_b), (osem_a, osem_b))

    return _sc_gather


BM = 512


def _mlp1_body(x_ref, w1_ref, b1_ref, o_ref, w1bf):
    @pl.when(pl.program_id(0) == 0)
    def _init():
        w1bf[...] = w1_ref[...].astype(jnp.bfloat16)

    xb = x_ref[...].astype(jnp.bfloat16)
    h = lax.dot_general(xb, w1bf[...], (((1,), (1,)), ((), ())),
                        preferred_element_type=jnp.float32)
    o_ref[...] = jnp.maximum(h + b1_ref[...], 0.0).astype(jnp.bfloat16)


_mlp1 = pl.pallas_call(
    _mlp1_body,
    grid=(N_TOK // BM,),
    in_specs=[
        pl.BlockSpec((BM, IN_F), lambda i: (i, 0)),
        pl.BlockSpec((K_SEL, IN_F), lambda i: (0, 0)),
        pl.BlockSpec((1, K_SEL), lambda i: (0, 0)),
    ],
    out_specs=pl.BlockSpec((BM, K_SEL), lambda i: (i, 0)),
    out_shape=jax.ShapeDtypeStruct((N_TOK, K_SEL), jnp.bfloat16),
    scratch_shapes=[pltpu.VMEM((K_SEL, IN_F), jnp.bfloat16)],
    compiler_params=pltpu.CompilerParams(
        dimension_semantics=("arbitrary",),
        vmem_limit_bytes=120 * 1024 * 1024,
    ),
)


def _mlp2_body(h_ref, w2_ref, b2_ref, o_ref, w2bf):
    @pl.when(pl.program_id(0) == 0)
    def _init():
        w2bf[...] = w2_ref[...].astype(jnp.bfloat16)

    y = lax.dot_general(h_ref[...], w2bf[...], (((1,), (0,)), ((), ())),
                        preferred_element_type=jnp.float32)
    o_ref[...] = y + b2_ref[...]


_mlp2 = pl.pallas_call(
    _mlp2_body,
    grid=(N_TOK // BM,),
    in_specs=[
        pl.BlockSpec((BM, K_SEL), lambda i: (i, 0)),
        pl.BlockSpec((K_SEL, OUT_F), lambda i: (0, 0)),
        pl.BlockSpec((1, OUT_F), lambda i: (0, 0)),
    ],
    out_specs=pl.BlockSpec((BM, OUT_F), lambda i: (i, 0)),
    out_shape=jax.ShapeDtypeStruct((N_TOK, OUT_F), jnp.float32),
    scratch_shapes=[pltpu.VMEM((K_SEL, OUT_F), jnp.bfloat16)],
    compiler_params=pltpu.CompilerParams(
        dimension_semantics=("arbitrary",),
        vmem_limit_bytes=120 * 1024 * 1024,
    ),
)


def kernel(x, index_vec, fc1_w, fc1_b, fc2_w_t, fc2_b):
    idx = index_vec.astype(jnp.int32)
    w1_sel, b1_sel = _get_sc_gather_w1b1()(fc1_w, fc1_b, idx)
    w2_sel = _get_sc_gather_w2()(fc2_w_t, idx)
    h = _mlp1(x, w1_sel, b1_sel.reshape(1, K_SEL))
    return _mlp2(h, w2_sel, fc2_b.reshape(1, OUT_F))

# --- scband reference (transcript-rebuilt; emitter-appended) ---
"""Pipeline reference for scband-selective-mlp-80994493268149 (READ-ONLY COPY).

The authoritative reference and input builder live on the scoring server;
editing this copy changes nothing except your own understanding.
"""

import jax, jax.numpy as jnp
import numpy as np

IN_FEATURES = 2048
HIDDEN_FEATURES = 8192
OUT_FEATURES = 2048
N_TOKENS = 4096
K_SELECTED = 2048


def setup_inputs(seed: int = 0) -> dict:
    key = jax.random.key(seed)
    k_x, k_iv, k_w1, k_b1, k_w2, k_b2 = jax.random.split(key, 6)
    x = jax.random.normal(k_x, (N_TOKENS, IN_FEATURES), dtype=jnp.float32)
    index_vec = jnp.sort(jax.random.randint(k_iv, (K_SELECTED,), 0, HIDDEN_FEATURES, dtype=jnp.int64))
    # fc1: Linear(in_features, hidden_features) -> weight [hidden, in], bias [hidden]
    bound1 = 1.0 / np.sqrt(IN_FEATURES)
    fc1_w = jax.random.uniform(k_w1, (HIDDEN_FEATURES, IN_FEATURES), dtype=jnp.float32, minval=-bound1, maxval=bound1)
    fc1_b = jax.random.uniform(k_b1, (HIDDEN_FEATURES,), dtype=jnp.float32, minval=-bound1, maxval=bound1)
    # fc2: Linear(hidden_features, out_features) -> weight [out, hidden]; module stores transposed copy [hidden, out]
    bound2 = 1.0 / np.sqrt(HIDDEN_FEATURES)
    fc2_w_t = jax.random.uniform(k_w2, (HIDDEN_FEATURES, OUT_FEATURES), dtype=jnp.float32, minval=-bound2, maxval=bound2)
    fc2_b = jax.random.uniform(k_b2, (OUT_FEATURES,), dtype=jnp.float32, minval=-bound2, maxval=bound2)
    return {"x": x, "index_vec": index_vec, "fc1_w": fc1_w, "fc1_b": fc1_b, "fc2_w_t": fc2_w_t, "fc2_b": fc2_b}


def reference(x, index_vec, fc1_w, fc1_b, fc2_w_t, fc2_b):
    # SelectiveMLPFunc: gather selected hidden-neuron rows of fc1 weight (gather_matmul_col),
    # apply activation, then gather corresponding rows of fc2_weight_t (gather_matmul_row).
    x2 = x.reshape(-1, x.shape[-1])
    w1_sel = jnp.take(fc1_w, index_vec, axis=0)      # [K, in]
    b1_sel = jnp.take(fc1_b, index_vec, axis=0)      # [K]
    h = x2 @ w1_sel.T + b1_sel[None, :]
    h = jax.nn.relu(h)                               # activation='relu'
    w2_sel = jnp.take(fc2_w_t, index_vec, axis=0)    # [K, out]
    y = h @ w2_sel + fc2_b[None, :]
    return y

if __name__ == "__main__":
    import jax
    _d = setup_inputs()
    print(jax.jit(kernel)(*tuple(_d.values())))

</pallas_src>

<mosaic_0001>
#map = affine_map<(d0, d1) -> (0, 0)>
#map1 = affine_map<(d0, d1) -> (0)>
module attributes {stable_mosaic.version = 14 : i64} {
  func.func @_sc_gather(%arg0: i32, %arg1: i32, %arg2: memref<8192x2048xf32, #tpu.memory_space<hbm>>, %arg3: memref<2048xi32, #tpu.memory_space<hbm>>, %arg4: memref<2048x2048xf32, #tpu.memory_space<hbm>>, %arg5: memref<64xi32, #tpu.memory_space<vmem>>, %arg6: memref<16x2048xf32, #tpu.memory_space<vmem>>, %arg7: memref<16x2048xf32, #tpu.memory_space<vmem>>, %arg8: memref<!tpu.dma_semaphore, #tpu.memory_space<semaphore_mem>>, %arg9: memref<!tpu.dma_semaphore, #tpu.memory_space<semaphore_mem>>, %arg10: memref<!tpu.dma_semaphore, #tpu.memory_space<semaphore_mem>>, %arg11: memref<!tpu.dma_semaphore, #tpu.memory_space<semaphore_mem>>) attributes {dimension_semantics = [#tpu.dimension_semantics<core_parallel>, #tpu.dimension_semantics<subcore_parallel>], iteration_bounds = array<i64: 2, 16>, scalar_prefetch = 0 : i64, scratch_operands = 7 : i64, tpu.core_type = #tpu.core_type<sc_vector_subcore>, window_params = [{transform_indices = #map}, {transform_indices = #map1}, {transform_indices = #map}]} {
    %mul3A = arith.constant 2 : i32
    %mul3A_0 = arith.muli %arg1, %mul3A : i32
    %add3A = arith.addi %mul3A_0, %arg0 : i32
    %mul3A_1 = arith.constant 64 : i32
    %mul3A_2 = arith.muli %add3A, %mul3A_1 : i32
    "tpu.region"() ({
      %run_scoped3A = tpu.sem_alloc : memref<!tpu.dma_semaphore, #tpu.memory_space<semaphore_mem>>
      %dma_start3A_72 = tpu.memref_slice %arg3[%mul3A_2] : memref<2048xi32, #tpu.memory_space<hbm>> -> memref<64xi32, #tpu.memory_space<hbm>>
      %dma_start3A_73 = tpu.memref_slice %arg3[%mul3A_2] : memref<2048xi32, #tpu.memory_space<hbm>> -> memref<64xi32, #tpu.memory_space<hbm>>
      tpu.enqueue_dma source(%dma_start3A_73 : memref<64xi32, #tpu.memory_space<hbm>>) target(%arg5 : memref<64xi32, #tpu.memory_space<vmem>>) target_semaphore(%run_scoped3A : memref<!tpu.dma_semaphore, #tpu.memory_space<semaphore_mem>>)
      %dma_wait3A_74 = tpu.memref_slice %arg3[%mul3A_2] : memref<2048xi32, #tpu.memory_space<hbm>> -> memref<64xi32, #tpu.memory_space<hbm>>
      %dma_wait3A_75 = tpu.memref_slice %arg3[%mul3A_2] : memref<2048xi32, #tpu.memory_space<hbm>> -> memref<64xi32, #tpu.memory_space<hbm>>
      tpu.wait_dma2 semaphore(%run_scoped3A : memref<!tpu.dma_semaphore, #tpu.memory_space<semaphore_mem>>) src(%dma_wait3A_75 : memref<64xi32, #tpu.memory_space<hbm>>) dst(%arg5 : memref<64xi32, #tpu.memory_space<vmem>>)
      tpu.yield
    }) : () -> ()
    %get3A = arith.constant 0 : index
    %get3A_3 = tpu.vector_load %arg5[%get3A] {strides = array<i32>} : memref<64xi32, #tpu.memory_space<vmem>>, vector<16xi32>,
    %dma_start3A = arith.constant 0 : i32
    %dma_start3A_4 = arith.constant 0 : i32
    %dma_start3A_5 = tpu.memref_slice %arg2[%dma_start3A, %dma_start3A_4] : memref<8192x2048xf32, #tpu.memory_space<hbm>> -> memref<8192x2048xf32, #tpu.memory_space<hbm>>
    tpu.enqueue_indirect_dma source(%dma_start3A_5 : memref<8192x2048xf32, #tpu.memory_space<hbm>>) target(%arg6 : memref<16x2048xf32, #tpu.memory_space<vmem>>) offsets(%get3A_3 : vector<16xi32>) semaphore(%arg8 : memref<!tpu.dma_semaphore, #tpu.memory_space<semaphore_mem>>)
    %get3A_6 = arith.constant 16 : index
    %get3A_7 = tpu.vector_load %arg5[%get3A_6] {strides = array<i32>} : memref<64xi32, #tpu.memory_space<vmem>>, vector<16xi32>,
    %dma_start3A_8 = arith.constant 0 : i32
    %dma_start3A_9 = arith.constant 0 : i32
    %dma_start3A_10 = tpu.memref_slice %arg2[%dma_start3A_8, %dma_start3A_9] : memref<8192x2048xf32, #tpu.memory_space<hbm>> -> memref<8192x2048xf32, #tpu.memory_space<hbm>>
    tpu.enqueue_indirect_dma source(%dma_start3A_10 : memref<8192x2048xf32, #tpu.memory_space<hbm>>) target(%arg7 : memref<16x2048xf32, #tpu.memory_space<vmem>>) offsets(%get3A_7 : vector<16xi32>) semaphore(%arg9 : memref<!tpu.dma_semaphore, #tpu.memory_space<semaphore_mem>>)
    %dma_wait3A = arith.constant 0 : i32
    %dma_wait3A_11 = arith.constant 0 : i32
    %dma_wait3A_12 = tpu.memref_slice %arg2[%dma_wait3A, %dma_wait3A_11] : memref<8192x2048xf32, #tpu.memory_space<hbm>> -> memref<8192x2048xf32, #tpu.memory_space<hbm>>
    tpu.wait_indirect_dma semaphore(%arg8 : memref<!tpu.dma_semaphore, #tpu.memory_space<semaphore_mem>>) src(%dma_wait3A_12 : memref<8192x2048xf32, #tpu.memory_space<hbm>>) dst(%arg6 : memref<16x2048xf32, #tpu.memory_space<vmem>>)
    %add3A_13 = arith.constant 0 : i32
    %add3A_14 = arith.addi %mul3A_2, %add3A_13 : i32
    %dma_start3A_15 = arith.constant 0 : i32
    %dma_start3A_16 = tpu.memref_slice %arg4[%add3A_14, %dma_start3A_15] : memref<2048x2048xf32, #tpu.memory_space<hbm>> -> memref<16x2048xf32, #tpu.memory_space<hbm>>
    %dma_start3A_17 = arith.constant 0 : i32
    %dma_start3A_18 = tpu.memref_slice %arg4[%add3A_14, %dma_start3A_17] : memref<2048x2048xf32, #tpu.memory_space<hbm>> -> memref<16x2048xf32, #tpu.memory_space<hbm>>
    tpu.enqueue_dma source(%arg6 : memref<16x2048xf32, #tpu.memory_space<vmem>>) target(%dma_start3A_18 : memref<16x2048xf32, #tpu.memory_space<hbm>>) target_semaphore(%arg10 : memref<!tpu.dma_semaphore, #tpu.memory_space<semaphore_mem>>)
    %dma_wait3A_19 = arith.constant 0 : i32
    %dma_wait3A_20 = tpu.memref_slice %arg4[%add3A_14, %dma_wait3A_19] : memref<2048x2048xf32, #tpu.memory_space<hbm>> -> memref<16x2048xf32, #tpu.memory_space<hbm>>
    %dma_wait3A_21 = arith.constant 0 : i32
    %dma_wait3A_22 = tpu.memref_slice %arg4[%add3A_14, %dma_wait3A_21] : memref<2048x2048xf32, #tpu.memory_space<hbm>> -> memref<16x2048xf32, #tpu.memory_space<hbm>>
    tpu.wait_dma2 semaphore(%arg10 : memref<!tpu.dma_semaphore, #tpu.memory_space<semaphore_mem>>) src(%arg6 : memref<16x2048xf32, #tpu.memory_space<vmem>>) dst(%dma_wait3A_22 : memref<16x2048xf32, #tpu.memory_space<hbm>>)
    %get3A_23 = arith.constant 32 : index
    %get3A_24 = tpu.vector_load %arg5[%get3A_23] {strides = array<i32>} : memref<64xi32, #tpu.memory_space<vmem>>, vector<16xi32>,
    %dma_start3A_25 = arith.constant 0 : i32
    %dma_start3A_26 = arith.constant 0 : i32
    %dma_start3A_27 = tpu.memref_slice %arg2[%dma_start3A_25, %dma_start3A_26] : memref<8192x2048xf32, #tpu.memory_space<hbm>> -> memref<8192x2048xf32, #tpu.memory_space<hbm>>
    tpu.enqueue_indirect_dma source(%dma_start3A_27 : memref<8192x2048xf32, #tpu.memory_space<hbm>>) target(%arg6 : memref<16x2048xf32, #tpu.memory_space<vmem>>) offsets(%get3A_24 : vector<16xi32>) semaphore(%arg8 : memref<!tpu.dma_semaphore, #tpu.memory_space<semaphore_mem>>)
    %dma_wait3A_28 = arith.constant 0 : i32
    %dma_wait3A_29 = arith.constant 0 : i32
    %dma_wait3A_30 = tpu.memref_slice %arg2[%dma_wait3A_28, %dma_wait3A_29] : memref<8192x2048xf32, #tpu.memory_space<hbm>> -> memref<8192x2048xf32, #tpu.memory_space<hbm>>
    tpu.wait_indirect_dma semaphore(%arg9 : memref<!tpu.dma_semaphore, #tpu.memory_space<semaphore_mem>>) src(%dma_wait3A_30 : memref<8192x2048xf32, #tpu.memory_space<hbm>>) dst(%arg7 : memref<16x2048xf32, #tpu.memory_space<vmem>>)
    %add3A_31 = arith.constant 16 : i32
    %add3A_32 = arith.addi %mul3A_2, %add3A_31 : i32
    %dma_start3A_33 = arith.constant 0 : i32
    %dma_start3A_34 = tpu.memref_slice %arg4[%add3A_32, %dma_start3A_33] : memref<2048x2048xf32, #tpu.memory_space<hbm>> -> memref<16x2048xf32, #tpu.memory_space<hbm>>
    %dma_start3A_35 = arith.constant 0 : i32
    %dma_start3A_36 = tpu.memref_slice %arg4[%add3A_32, %dma_start3A_35] : memref<2048x2048xf32, #tpu.memory_space<hbm>> -> memref<16x2048xf32, #tpu.memory_space<hbm>>
    tpu.enqueue_dma source(%arg7 : memref<16x2048xf32, #tpu.memory_space<vmem>>) target(%dma_start3A_36 : memref<16x2048xf32, #tpu.memory_space<hbm>>) target_semaphore(%arg11 : memref<!tpu.dma_semaphore, #tpu.memory_space<semaphore_mem>>)
    %dma_wait3A_37 = arith.constant 0 : i32
    %dma_wait3A_38 = tpu.memref_slice %arg4[%add3A_32, %dma_wait3A_37] : memref<2048x2048xf32, #tpu.memory_space<hbm>> -> memref<16x2048xf32, #tpu.memory_space<hbm>>
    %dma_wait3A_39 = arith.constant 0 : i32
    %dma_wait3A_40 = tpu.memref_slice %arg4[%add3A_32, %dma_wait3A_39] : memref<2048x2048xf32, #tpu.memory_space<hbm>> -> memref<16x2048xf32, #tpu.memory_space<hbm>>
    tpu.wait_dma2 semaphore(%arg11 : memref<!tpu.dma_semaphore, #tpu.memory_space<semaphore_mem>>) src(%arg7 : memref<16x2048xf32, #tpu.memory_space<vmem>>) dst(%dma_wait3A_40 : memref<16x2048xf32, #tpu.memory_space<hbm>>)
    %get3A_41 = arith.constant 48 : index
    %get3A_42 = tpu.vector_load %arg5[%get3A_41] {strides = array<i32>} : memref<64xi32, #tpu.memory_space<vmem>>, vector<16xi32>,
    %dma_start3A_43 = arith.constant 0 : i32
    %dma_start3A_44 = arith.constant 0 : i32
    %dma_start3A_45 = tpu.memref_slice %arg2[%dma_start3A_43, %dma_start3A_44] : memref<8192x2048xf32, #tpu.memory_space<hbm>> -> memref<8192x2048xf32, #tpu.memory_space<hbm>>
    tpu.enqueue_indirect_dma source(%dma_start3A_45 : memref<8192x2048xf32, #tpu.memory_space<hbm>>) target(%arg7 : memref<16x2048xf32, #tpu.memory_space<vmem>>) offsets(%get3A_42 : vector<16xi32>) semaphore(%arg9 : memref<!tpu.dma_semaphore, #tpu.memory_space<semaphore_mem>>)
    %dma_wait3A_46 = arith.constant 0 : i32
    %dma_wait3A_47 = arith.constant 0 : i32
    %dma_wait3A_48 = tpu.memref_slice %arg2[%dma_wait3A_46, %dma_wait3A_47] : memref<8192x2048xf32, #tpu.memory_space<hbm>> -> memref<8192x2048xf32, #tpu.memory_space<hbm>>
    tpu.wait_indirect_dma semaphore(%arg8 : memref<!tpu.dma_semaphore, #tpu.memory_space<semaphore_mem>>) src(%dma_wait3A_48 : memref<8192x2048xf32, #tpu.memory_space<hbm>>) dst(%arg6 : memref<16x2048xf32, #tpu.memory_space<vmem>>)
    %add3A_49 = arith.constant 32 : i32
    %add3A_50 = arith.addi %mul3A_2, %add3A_49 : i32
    %dma_start3A_51 = arith.constant 0 : i32
    %dma_start3A_52 = tpu.memref_slice %arg4[%add3A_50, %dma_start3A_51] : memref<2048x2048xf32, #tpu.memory_space<hbm>> -> memref<16x2048xf32, #tpu.memory_space<hbm>>
    %dma_start3A_53 = arith.constant 0 : i32
    %dma_start3A_54 = tpu.memref_slice %arg4[%add3A_50, %dma_start3A_53] : memref<2048x2048xf32, #tpu.memory_space<hbm>> -> memref<16x2048xf32, #tpu.memory_space<hbm>>
    tpu.enqueue_dma source(%arg6 : memref<16x2048xf32, #tpu.memory_space<vmem>>) target(%dma_start3A_54 : memref<16x2048xf32, #tpu.memory_space<hbm>>) target_semaphore(%arg10 : memref<!tpu.dma_semaphore, #tpu.memory_space<semaphore_mem>>)
    %dma_wait3A_55 = arith.constant 0 : i32
    %dma_wait3A_56 = arith.constant 0 : i32
    %dma_wait3A_57 = tpu.memref_slice %arg2[%dma_wait3A_55, %dma_wait3A_56] : memref<8192x2048xf32, #tpu.memory_space<hbm>> -> memref<8192x2048xf32, #tpu.memory_space<hbm>>
    tpu.wait_indirect_dma semaphore(%arg9 : memref<!tpu.dma_semaphore, #tpu.memory_space<semaphore_mem>>) src(%dma_wait3A_57 : memref<8192x2048xf32, #tpu.memory_space<hbm>>) dst(%arg7 : memref<16x2048xf32, #tpu.memory_space<vmem>>)
    %add3A_58 = arith.constant 48 : i32
    %add3A_59 = arith.addi %mul3A_2, %add3A_58 : i32
    %dma_start3A_60 = arith.constant 0 : i32
    %dma_start3A_61 = tpu.memref_slice %arg4[%add3A_59, %dma_start3A_60] : memref<2048x2048xf32, #tpu.memory_space<hbm>> -> memref<16x2048xf32, #tpu.memory_space<hbm>>
    %dma_start3A_62 = arith.constant 0 : i32
    %dma_start3A_63 = tpu.memref_slice %arg4[%add3A_59, %dma_start3A_62] : memref<2048x2048xf32, #tpu.memory_space<hbm>> -> memref<16x2048xf32, #tpu.memory_space<hbm>>
    tpu.enqueue_dma source(%arg7 : memref<16x2048xf32, #tpu.memory_space<vmem>>) target(%dma_start3A_63 : memref<16x2048xf32, #tpu.memory_space<hbm>>) target_semaphore(%arg11 : memref<!tpu.dma_semaphore, #tpu.memory_space<semaphore_mem>>)
    %dma_wait3A_64 = arith.constant 0 : i32
    %dma_wait3A_65 = tpu.memref_slice %arg4[%add3A_50, %dma_wait3A_64] : memref<2048x2048xf32, #tpu.memory_space<hbm>> -> memref<16x2048xf32, #tpu.memory_space<hbm>>
    %dma_wait3A_66 = arith.constant 0 : i32
    %dma_wait3A_67 = tpu.memref_slice %arg4[%add3A_50, %dma_wait3A_66] : memref<2048x2048xf32, #tpu.memory_space<hbm>> -> memref<16x2048xf32, #tpu.memory_space<hbm>>
    tpu.wait_dma2 semaphore(%arg10 : memref<!tpu.dma_semaphore, #tpu.memory_space<semaphore_mem>>) src(%arg6 : memref<16x2048xf32, #tpu.memory_space<vmem>>) dst(%dma_wait3A_67 : memref<16x2048xf32, #tpu.memory_space<hbm>>)
    %dma_wait3A_68 = arith.constant 0 : i32
    %dma_wait3A_69 = tpu.memref_slice %arg4[%add3A_59, %dma_wait3A_68] : memref<2048x2048xf32, #tpu.memory_space<hbm>> -> memref<16x2048xf32, #tpu.memory_space<hbm>>
    %dma_wait3A_70 = arith.constant 0 : i32
    %dma_wait3A_71 = tpu.memref_slice %arg4[%add3A_59, %dma_wait3A_70] : memref<2048x2048xf32, #tpu.memory_space<hbm>> -> memref<16x2048xf32, #tpu.memory_space<hbm>>
    tpu.wait_dma2 semaphore(%arg11 : memref<!tpu.dma_semaphore, #tpu.memory_space<semaphore_mem>>) src(%arg7 : memref<16x2048xf32, #tpu.memory_space<vmem>>) dst(%dma_wait3A_71 : memref<16x2048xf32, #tpu.memory_space<hbm>>)
    return
  }
}

#map = affine_map<(d0, d1) -> (0, 0)>
#map1 = affine_map<(d0, d1) -> (0)>
module attributes {stable_mosaic.version = 14 : i64} {
  func.func @_sc_gather(%arg0: i32, %arg1: i32, %arg2: memref<8192x2048xf32, #tpu.memory_space<hbm>>, %arg3: memref<8192xf32, #tpu.memory_space<hbm>>, %arg4: memref<2048xi32, #tpu.memory_space<hbm>>, %arg5: memref<2048x2048xf32, #tpu.memory_space<hbm>>, %arg6: memref<2048xf32, #tpu.memory_space<hbm>>, %arg7: memref<64xi32, #tpu.memory_space<vmem>>, %arg8: memref<16x2048xf32, #tpu.memory_space<vmem>>, %arg9: memref<16x2048xf32, #tpu.memory_space<vmem>>, %arg10: memref<8192xf32, #tpu.memory_space<vmem>>, %arg11: memref<64xf32, #tpu.memory_space<vmem>>, %arg12: memref<!tpu.dma_semaphore, #tpu.memory_space<semaphore_mem>>, %arg13: memref<!tpu.dma_semaphore, #tpu.memory_space<semaphore_mem>>, %arg14: memref<!tpu.dma_semaphore, #tpu.memory_space<semaphore_mem>>, %arg15: memref<!tpu.dma_semaphore, #tpu.memory_space<semaphore_mem>>) attributes {dimension_semantics = [#tpu.dimension_semantics<core_parallel>, #tpu.dimension_semantics<subcore_parallel>], iteration_bounds = array<i64: 2, 16>, scalar_prefetch = 0 : i64, scratch_operands = 9 : i64, tpu.core_type = #tpu.core_type<sc_vector_subcore>, window_params = [{transform_indices = #map}, {transform_indices = #map1}, {transform_indices = #map1}, {transform_indices = #map}, {transform_indices = #map1}]} {
    %mul3A = arith.constant 2 : i32
    %mul3A_0 = arith.muli %arg1, %mul3A : i32
    %add3A = arith.addi %mul3A_0, %arg0 : i32
    %mul3A_1 = arith.constant 64 : i32
    %mul3A_2 = arith.muli %add3A, %mul3A_1 : i32
    "tpu.region"() ({
      %run_scoped3A = tpu.sem_alloc : memref<!tpu.dma_semaphore, #tpu.memory_space<semaphore_mem>>
      %dma_start3A_90 = tpu.memref_slice %arg4[%mul3A_2] : memref<2048xi32, #tpu.memory_space<hbm>> -> memref<64xi32, #tpu.memory_space<hbm>>
      %dma_start3A_91 = tpu.memref_slice %arg4[%mul3A_2] : memref<2048xi32, #tpu.memory_space<hbm>> -> memref<64xi32, #tpu.memory_space<hbm>>
      tpu.enqueue_dma source(%dma_start3A_91 : memref<64xi32, #tpu.memory_space<hbm>>) target(%arg7 : memref<64xi32, #tpu.memory_space<vmem>>) target_semaphore(%run_scoped3A : memref<!tpu.dma_semaphore, #tpu.memory_space<semaphore_mem>>)
      %dma_wait3A_92 = tpu.memref_slice %arg4[%mul3A_2] : memref<2048xi32, #tpu.memory_space<hbm>> -> memref<64xi32, #tpu.memory_space<hbm>>
      %dma_wait3A_93 = tpu.memref_slice %arg4[%mul3A_2] : memref<2048xi32, #tpu.memory_space<hbm>> -> memref<64xi32, #tpu.memory_space<hbm>>
      tpu.wait_dma2 semaphore(%run_scoped3A : memref<!tpu.dma_semaphore, #tpu.memory_space<semaphore_mem>>) src(%dma_wait3A_93 : memref<64xi32, #tpu.memory_space<hbm>>) dst(%arg7 : memref<64xi32, #tpu.memory_space<vmem>>)
      tpu.yield
    }) : () -> ()
    "tpu.region"() ({
      %run_scoped3A = tpu.sem_alloc : memref<!tpu.dma_semaphore, #tpu.memory_space<semaphore_mem>>
      tpu.enqueue_dma source(%arg3 : memref<8192xf32, #tpu.memory_space<hbm>>) target(%arg10 : memref<8192xf32, #tpu.memory_space<vmem>>) target_semaphore(%run_scoped3A : memref<!tpu.dma_semaphore, #tpu.memory_space<semaphore_mem>>)
      tpu.wait_dma2 semaphore(%run_scoped3A : memref<!tpu.dma_semaphore, #tpu.memory_space<semaphore_mem>>) src(%arg3 : memref<8192xf32, #tpu.memory_space<hbm>>) dst(%arg10 : memref<8192xf32, #tpu.memory_space<vmem>>)
      tpu.yield
    }) : () -> ()
    %get3A = arith.constant 0 : index
    %get3A_3 = tpu.vector_load %arg7[%get3A] {strides = array<i32>} : memref<64xi32, #tpu.memory_space<vmem>>, vector<16xi32>,
    %gather3A = tpu.vector_load_idx %arg10[%get3A_3] : memref<8192xf32, #tpu.memory_space<vmem>>[vector<16xi32>], vector<16xf32>,
    %swap3A = arith.constant 0 : index
    %swap3A_4 = tpu.vector_load %arg11[%swap3A] {strides = array<i32>} : memref<64xf32, #tpu.memory_space<vmem>>, vector<16xf32>,
    tpu.vector_store %arg11[%swap3A], %gather3A {strides = array<i32>} : memref<64xf32, #tpu.memory_space<vmem>>, vector<16xf32>,
    %get3A_5 = arith.constant 16 : index
    %get3A_6 = tpu.vector_load %arg7[%get3A_5] {strides = array<i32>} : memref<64xi32, #tpu.memory_space<vmem>>, vector<16xi32>,
    %gather3A_7 = tpu.vector_load_idx %arg10[%get3A_6] : memref<8192xf32, #tpu.memory_space<vmem>>[vector<16xi32>], vector<16xf32>,
    %swap3A_8 = arith.constant 16 : index
    %swap3A_9 = tpu.vector_load %arg11[%swap3A_8] {strides = array<i32>} : memref<64xf32, #tpu.memory_space<vmem>>, vector<16xf32>,
    tpu.vector_store %arg11[%swap3A_8], %gather3A_7 {strides = array<i32>} : memref<64xf32, #tpu.memory_space<vmem>>, vector<16xf32>,
    %get3A_10 = arith.constant 32 : index
    %get3A_11 = tpu.vector_load %arg7[%get3A_10] {strides = array<i32>} : memref<64xi32, #tpu.memory_space<vmem>>, vector<16xi32>,
    %gather3A_12 = tpu.vector_load_idx %arg10[%get3A_11] : memref<8192xf32, #tpu.memory_space<vmem>>[vector<16xi32>], vector<16xf32>,
    %swap3A_13 = arith.constant 32 : index
    %swap3A_14 = tpu.vector_load %arg11[%swap3A_13] {strides = array<i32>} : memref<64xf32, #tpu.memory_space<vmem>>, vector<16xf32>,
    tpu.vector_store %arg11[%swap3A_13], %gather3A_12 {strides = array<i32>} : memref<64xf32, #tpu.memory_space<vmem>>, vector<16xf32>,
    %get3A_15 = arith.constant 48 : index
    %get3A_16 = tpu.vector_load %arg7[%get3A_15] {strides = array<i32>} : memref<64xi32, #tpu.memory_space<vmem>>, vector<16xi32>,
    %gather3A_17 = tpu.vector_load_idx %arg10[%get3A_16] : memref<8192xf32, #tpu.memory_space<vmem>>[vector<16xi32>], vector<16xf32>,
    %swap3A_18 = arith.constant 48 : index
    %swap3A_19 = tpu.vector_load %arg11[%swap3A_18] {strides = array<i32>} : memref<64xf32, #tpu.memory_space<vmem>>, vector<16xf32>,
    tpu.vector_store %arg11[%swap3A_18], %gather3A_17 {strides = array<i32>} : memref<64xf32, #tpu.memory_space<vmem>>, vector<16xf32>,
    "tpu.region"() ({
      %run_scoped3A = tpu.sem_alloc : memref<!tpu.dma_semaphore, #tpu.memory_space<semaphore_mem>>
      %dma_start3A_90 = tpu.memref_slice %arg6[%mul3A_2] : memref<2048xf32, #tpu.memory_space<hbm>> -> memref<64xf32, #tpu.memory_space<hbm>>
      %dma_start3A_91 = tpu.memref_slice %arg6[%mul3A_2] : memref<2048xf32, #tpu.memory_space<hbm>> -> memref<64xf32, #tpu.memory_space<hbm>>
      tpu.enqueue_dma source(%arg11 : memref<64xf32, #tpu.memory_space<vmem>>) target(%dma_start3A_91 : memref<64xf32, #tpu.memory_space<hbm>>) target_semaphore(%run_scoped3A : memref<!tpu.dma_semaphore, #tpu.memory_space<semaphore_mem>>)
      %dma_wait3A_92 = tpu.memref_slice %arg6[%mul3A_2] : memref<2048xf32, #tpu.memory_space<hbm>> -> memref<64xf32, #tpu.memory_space<hbm>>
      %dma_wait3A_93 = tpu.memref_slice %arg6[%mul3A_2] : memref<2048xf32, #tpu.memory_space<hbm>> -> memref<64xf32, #tpu.memory_space<hbm>>
      tpu.wait_dma2 semaphore(%run_scoped3A : memref<!tpu.dma_semaphore, #tpu.memory_space<semaphore_mem>>) src(%arg11 : memref<64xf32, #tpu.memory_space<vmem>>) dst(%dma_wait3A_93 : memref<64xf32, #tpu.memory_space<hbm>>)
      tpu.yield
    }) : () -> ()
    %get3A_20 = arith.constant 0 : index
    %get3A_21 = tpu.vector_load %arg7[%get3A_20] {strides = array<i32>} : memref<64xi32, #tpu.memory_space<vmem>>, vector<16xi32>,
    %dma_start3A = arith.constant 0 : i32
    %dma_start3A_22 = arith.constant 0 : i32
    %dma_start3A_23 = tpu.memref_slice %arg2[%dma_start3A, %dma_start3A_22] : memref<8192x2048xf32, #tpu.memory_space<hbm>> -> memref<8192x2048xf32, #tpu.memory_space<hbm>>
    tpu.enqueue_indirect_dma source(%dma_start3A_23 : memref<8192x2048xf32, #tpu.memory_space<hbm>>) target(%arg8 : memref<16x2048xf32, #tpu.memory_space<vmem>>) offsets(%get3A_21 : vector<16xi32>) semaphore(%arg12 : memref<!tpu.dma_semaphore, #tpu.memory_space<semaphore_mem>>)
    %get3A_24 = arith.constant 16 : index
    %get3A_25 = tpu.vector_load %arg7[%get3A_24] {strides = array<i32>} : memref<64xi32, #tpu.memory_space<vmem>>, vector<16xi32>,
    %dma_start3A_26 = arith.constant 0 : i32
    %dma_start3A_27 = arith.constant 0 : i32
    %dma_start3A_28 = tpu.memref_slice %arg2[%dma_start3A_26, %dma_start3A_27] : memref<8192x2048xf32, #tpu.memory_space<hbm>> -> memref<8192x2048xf32, #tpu.memory_space<hbm>>
    tpu.enqueue_indirect_dma source(%dma_start3A_28 : memref<8192x2048xf32, #tpu.memory_space<hbm>>) target(%arg9 : memref<16x2048xf32, #tpu.memory_space<vmem>>) offsets(%get3A_25 : vector<16xi32>) semaphore(%arg13 : memref<!tpu.dma_semaphore, #tpu.memory_space<semaphore_mem>>)
    %dma_wait3A = arith.constant 0 : i32
    %dma_wait3A_29 = arith.constant 0 : i32
    %dma_wait3A_30 = tpu.memref_slice %arg2[%dma_wait3A, %dma_wait3A_29] : memref<8192x2048xf32, #tpu.memory_space<hbm>> -> memref<8192x2048xf32, #tpu.memory_space<hbm>>
    tpu.wait_indirect_dma semaphore(%arg12 : memref<!tpu.dma_semaphore, #tpu.memory_space<semaphore_mem>>) src(%dma_wait3A_30 : memref<8192x2048xf32, #tpu.memory_space<hbm>>) dst(%arg8 : memref<16x2048xf32, #tpu.memory_space<vmem>>)
    %add3A_31 = arith.constant 0 : i32
    %add3A_32 = arith.addi %mul3A_2, %add3A_31 : i32
    %dma_start3A_33 = arith.constant 0 : i32
    %dma_start3A_34 = tpu.memref_slice %arg5[%add3A_32, %dma_start3A_33] : memref<2048x2048xf32, #tpu.memory_space<hbm>> -> memref<16x2048xf32, #tpu.memory_space<hbm>>
    %dma_start3A_35 = arith.constant 0 : i32
    %dma_start3A_36 = tpu.memref_slice %arg5[%add3A_32, %dma_start3A_35] : memref<2048x2048xf32, #tpu.memory_space<hbm>> -> memref<16x2048xf32, #tpu.memory_space<hbm>>
    tpu.enqueue_dma source(%arg8 : memref<16x2048xf32, #tpu.memory_space<vmem>>) target(%dma_start3A_36 : memref<16x2048xf32, #tpu.memory_space<hbm>>) target_semaphore(%arg14 : memref<!tpu.dma_semaphore, #tpu.memory_space<semaphore_mem>>)
    %dma_wait3A_37 = arith.constant 0 : i32
    %dma_wait3A_38 = tpu.memref_slice %arg5[%add3A_32, %dma_wait3A_37] : memref<2048x2048xf32, #tpu.memory_space<hbm>> -> memref<16x2048xf32, #tpu.memory_space<hbm>>
    %dma_wait3A_39 = arith.constant 0 : i32
    %dma_wait3A_40 = tpu.memref_slice %arg5[%add3A_32, %dma_wait3A_39] : memref<2048x2048xf32, #tpu.memory_space<hbm>> -> memref<16x2048xf32, #tpu.memory_space<hbm>>
    tpu.wait_dma2 semaphore(%arg14 : memref<!tpu.dma_semaphore, #tpu.memory_space<semaphore_mem>>) src(%arg8 : memref<16x2048xf32, #tpu.memory_space<vmem>>) dst(%dma_wait3A_40 : memref<16x2048xf32, #tpu.memory_space<hbm>>)
    %get3A_41 = arith.constant 32 : index
    %get3A_42 = tpu.vector_load %arg7[%get3A_41] {strides = array<i32>} : memref<64xi32, #tpu.memory_space<vmem>>, vector<16xi32>,
    %dma_start3A_43 = arith.constant 0 : i32
    %dma_start3A_44 = arith.constant 0 : i32
    %dma_start3A_45 = tpu.memref_slice %arg2[%dma_start3A_43, %dma_start3A_44] : memref<8192x2048xf32, #tpu.memory_space<hbm>> -> memref<8192x2048xf32, #tpu.memory_space<hbm>>
    tpu.enqueue_indirect_dma source(%dma_start3A_45 : memref<8192x2048xf32, #tpu.memory_space<hbm>>) target(%arg8 : memref<16x2048xf32, #tpu.memory_space<vmem>>) offsets(%get3A_42 : vector<16xi32>) semaphore(%arg12 : memref<!tpu.dma_semaphore, #tpu.memory_space<semaphore_mem>>)
    %dma_wait3A_46 = arith.constant 0 : i32
    %dma_wait3A_47 = arith.constant 0 : i32
    %dma_wait3A_48 = tpu.memref_slice %arg2[%dma_wait3A_46, %dma_wait3A_47] : memref<8192x2048xf32, #tpu.memory_space<hbm>> -> memref<8192x2048xf32, #tpu.memory_space<hbm>>
    tpu.wait_indirect_dma semaphore(%arg13 : memref<!tpu.dma_semaphore, #tpu.memory_space<semaphore_mem>>) src(%dma_wait3A_48 : memref<8192x2048xf32, #tpu.memory_space<hbm>>) dst(%arg9 : memref<16x2048xf32, #tpu.memory_space<vmem>>)
    %add3A_49 = arith.constant 16 : i32
    %add3A_50 = arith.addi %mul3A_2, %add3A_49 : i32
    %dma_start3A_51 = arith.constant 0 : i32
    %dma_start3A_52 = tpu.memref_slice %arg5[%add3A_50, %dma_start3A_51] : memref<2048x2048xf32, #tpu.memory_space<hbm>> -> memref<16x2048xf32, #tpu.memory_space<hbm>>
    %dma_start3A_53 = arith.constant 0 : i32
    %dma_start3A_54 = tpu.memref_slice %arg5[%add3A_50, %dma_start3A_53] : memref<2048x2048xf32, #tpu.memory_space<hbm>> -> memref<16x2048xf32, #tpu.memory_space<hbm>>
    tpu.enqueue_dma source(%arg9 : memref<16x2048xf32, #tpu.memory_space<vmem>>) target(%dma_start3A_54 : memref<16x2048xf32, #tpu.memory_space<hbm>>) target_semaphore(%arg15 : memref<!tpu.dma_semaphore, #tpu.memory_space<semaphore_mem>>)
    %dma_wait3A_55 = arith.constant 0 : i32
    %dma_wait3A_56 = tpu.memref_slice %arg5[%add3A_50, %dma_wait3A_55] : memref<2048x2048xf32, #tpu.memory_space<hbm>> -> memref<16x2048xf32, #tpu.memory_space<hbm>>
    %dma_wait3A_57 = arith.constant 0 : i32
    %dma_wait3A_58 = tpu.memref_slice %arg5[%add3A_50, %dma_wait3A_57] : memref<2048x2048xf32, #tpu.memory_space<hbm>> -> memref<16x2048xf32, #tpu.memory_space<hbm>>
    tpu.wait_dma2 semaphore(%arg15 : memref<!tpu.dma_semaphore, #tpu.memory_space<semaphore_mem>>) src(%arg9 : memref<16x2048xf32, #tpu.memory_space<vmem>>) dst(%dma_wait3A_58 : memref<16x2048xf32, #tpu.memory_space<hbm>>)
    %get3A_59 = arith.constant 48 : index
    %get3A_60 = tpu.vector_load %arg7[%get3A_59] {strides = array<i32>} : memref<64xi32, #tpu.memory_space<vmem>>, vector<16xi32>,
    %dma_start3A_61 = arith.constant 0 : i32
    %dma_start3A_62 = arith.constant 0 : i32
    %dma_start3A_63 = tpu.memref_slice %arg2[%dma_start3A_61, %dma_start3A_62] : memref<8192x2048xf32, #tpu.memory_space<hbm>> -> memref<8192x2048xf32, #tpu.memory_space<hbm>>
    tpu.enqueue_indirect_dma source(%dma_start3A_63 : memref<8192x2048xf32, #tpu.memory_space<hbm>>) target(%arg9 : memref<16x2048xf32, #tpu.memory_space<vmem>>) offsets(%get3A_60 : vector<16xi32>) semaphore(%arg13 : memref<!tpu.dma_semaphore, #tpu.memory_space<semaphore_mem>>)
    %dma_wait3A_64 = arith.constant 0 : i32
    %dma_wait3A_65 = arith.constant 0 : i32
    %dma_wait3A_66 = tpu.memref_slice %arg2[%dma_wait3A_64, %dma_wait3A_65] : memref<8192x2048xf32, #tpu.memory_space<hbm>> -> memref<8192x2048xf32, #tpu.memory_space<hbm>>
    tpu.wait_indirect_dma semaphore(%arg12 : memref<!tpu.dma_semaphore, #tpu.memory_space<semaphore_mem>>) src(%dma_wait3A_66 : memref<8192x2048xf32, #tpu.memory_space<hbm>>) dst(%arg8 : memref<16x2048xf32, #tpu.memory_space<vmem>>)
    %add3A_67 = arith.constant 32 : i32
    %add3A_68 = arith.addi %mul3A_2, %add3A_67 : i32
    %dma_start3A_69 = arith.constant 0 : i32
    %dma_start3A_70 = tpu.memref_slice %arg5[%add3A_68, %dma_start3A_69] : memref<2048x2048xf32, #tpu.memory_space<hbm>> -> memref<16x2048xf32, #tpu.memory_space<hbm>>
    %dma_start3A_71 = arith.constant 0 : i32
    %dma_start3A_72 = tpu.memref_slice %arg5[%add3A_68, %dma_start3A_71] : memref<2048x2048xf32, #tpu.memory_space<hbm>> -> memref<16x2048xf32, #tpu.memory_space<hbm>>
    tpu.enqueue_dma source(%arg8 : memref<16x2048xf32, #tpu.memory_space<vmem>>) target(%dma_start3A_72 : memref<16x2048xf32, #tpu.memory_space<hbm>>) target_semaphore(%arg14 : memref<!tpu.dma_semaphore, #tpu.memory_space<semaphore_mem>>)
    %dma_wait3A_73 = arith.constant 0 : i32
    %dma_wait3A_74 = arith.constant 0 : i32
    %dma_wait3A_75 = tpu.memref_slice %arg2[%dma_wait3A_73, %dma_wait3A_74] : memref<8192x2048xf32, #tpu.memory_space<hbm>> -> memref<8192x2048xf32, #tpu.memory_space<hbm>>
    tpu.wait_indirect_dma semaphore(%arg13 : memref<!tpu.dma_semaphore, #tpu.memory_space<semaphore_mem>>) src(%dma_wait3A_75 : memref<8192x2048xf32, #tpu.memory_space<hbm>>) dst(%arg9 : memref<16x2048xf32, #tpu.memory_space<vmem>>)
    %add3A_76 = arith.constant 48 : i32
    %add3A_77 = arith.addi %mul3A_2, %add3A_76 : i32
    %dma_start3A_78 = arith.constant 0 : i32
    %dma_start3A_79 = tpu.memref_slice %arg5[%add3A_77, %dma_start3A_78] : memref<2048x2048xf32, #tpu.memory_space<hbm>> -> memref<16x2048xf32, #tpu.memory_space<hbm>>
    %dma_start3A_80 = arith.constant 0 : i32
    %dma_start3A_81 = tpu.memref_slice %arg5[%add3A_77, %dma_start3A_80] : memref<2048x2048xf32, #tpu.memory_space<hbm>> -> memref<16x2048xf32, #tpu.memory_space<hbm>>
    tpu.enqueue_dma source(%arg9 : memref<16x2048xf32, #tpu.memory_space<vmem>>) target(%dma_start3A_81 : memref<16x2048xf32, #tpu.memory_space<hbm>>) target_semaphore(%arg15 : memref<!tpu.dma_semaphore, #tpu.memory_space<semaphore_mem>>)
    %dma_wait3A_82 = arith.constant 0 : i32
    %dma_wait3A_83 = tpu.memref_slice %arg5[%add3A_68, %dma_wait3A_82] : memref<2048x2048xf32, #tpu.memory_space<hbm>> -> memref<16x2048xf32, #tpu.memory_space<hbm>>
    %dma_wait3A_84 = arith.constant 0 : i32
    %dma_wait3A_85 = tpu.memref_slice %arg5[%add3A_68, %dma_wait3A_84] : memref<2048x2048xf32, #tpu.memory_space<hbm>> -> memref<16x2048xf32, #tpu.memory_space<hbm>>
    tpu.wait_dma2 semaphore(%arg14 : memref<!tpu.dma_semaphore, #tpu.memory_space<semaphore_mem>>) src(%arg8 : memref<16x2048xf32, #tpu.memory_space<vmem>>) dst(%dma_wait3A_85 : memref<16x2048xf32, #tpu.memory_space<hbm>>)
    %dma_wait3A_86 = arith.constant 0 : i32
    %dma_wait3A_87 = tpu.memref_slice %arg5[%add3A_77, %dma_wait3A_86] : memref<2048x2048xf32, #tpu.memory_space<hbm>> -> memref<16x2048xf32, #tpu.memory_space<hbm>>
    %dma_wait3A_88 = arith.constant 0 : i32
    %dma_wait3A_89 = tpu.memref_slice %arg5[%add3A_77, %dma_wait3A_88] : memref<2048x2048xf32, #tpu.memory_space<hbm>> -> memref<16x2048xf32, #tpu.memory_space<hbm>>
    tpu.wait_dma2 semaphore(%arg15 : memref<!tpu.dma_semaphore, #tpu.memory_space<semaphore_mem>>) src(%arg9 : memref<16x2048xf32, #tpu.memory_space<vmem>>) dst(%dma_wait3A_89 : memref<16x2048xf32, #tpu.memory_space<hbm>>)
    return
  }
}

module attributes {stable_mosaic.version = 14 : i64} {
  func.func @_mlp2_body(%arg0: i32, %arg1: memref<512x2048xbf16, #tpu.memory_space<vmem>>, %arg2: memref<2048x2048xf32, #tpu.memory_space<vmem>>, %arg3: memref<1x2048xf32, #tpu.memory_space<vmem>>, %arg4: memref<512x2048xf32, #tpu.memory_space<vmem>>, %arg5: memref<2048x2048xbf16, #tpu.memory_space<vmem>>) attributes {dimension_semantics = [#tpu.dimension_semantics<arbitrary>], iteration_bounds = array<i64: 8>, scalar_prefetch = 0 : i64, scratch_operands = 1 : i64, tpu.core_type = #tpu.core_type<tc>, window_params = [{transform_indices = @transform_0, window_bounds = array<i64: 512, 2048>}, {pipeline_mode = #tpu.pipeline_mode<synchronous>, transform_indices = @transform_1, window_bounds = array<i64: 2048, 2048>}, {pipeline_mode = #tpu.pipeline_mode<synchronous>, transform_indices = @transform_2, window_bounds = array<i64: 1, 2048>}, {transform_indices = @transform_3, window_bounds = array<i64: 512, 2048>}]} {
    %eq3A = arith.constant 0 : i32
    %eq3A_0 = arith.cmpi eq, %arg0, %eq3A : i32
    %convert_element_type3A = arith.extui %eq3A_0 : i1 to i32
    %cond3A = arith.constant 0 : i32
    %cond3A_1 = arith.cmpi ne, %convert_element_type3A, %cond3A : i32
    scf.if %cond3A_1 {
      %get3A_14 = arith.constant 0 : index
      %get3A_15 = arith.constant 0 : index
      %get3A_16 = vector.load %arg2[%get3A_14, %get3A_15] : memref<2048x2048xf32, #tpu.memory_space<vmem>>, vector<2048x2048xf32>
      %convert_element_type3A_17 = arith.truncf %get3A_16 : vector<2048x2048xf32> to vector<2048x2048xbf16>
      %swap3A_18 = arith.constant 0 : index
      %swap3A_19 = arith.constant 0 : index
      %swap3A_20 = vector.load %arg5[%swap3A_18, %swap3A_19] : memref<2048x2048xbf16, #tpu.memory_space<vmem>>, vector<2048x2048xbf16>
      tpu.vector_store %arg5[%swap3A_18, %swap3A_19], %convert_element_type3A_17 {strides = array<i32>} : memref<2048x2048xbf16, #tpu.memory_space<vmem>>, vector<2048x2048xbf16>,
    } else {
    }
    %get3A = arith.constant 0 : index
    %get3A_2 = arith.constant 0 : index
    %get3A_3 = vector.load %arg1[%get3A, %get3A_2] : memref<512x2048xbf16, #tpu.memory_space<vmem>>, vector<512x2048xbf16>
    %get3A_4 = arith.constant 0 : index
    %get3A_5 = arith.constant 0 : index
    %get3A_6 = vector.load %arg5[%get3A_4, %get3A_5] : memref<2048x2048xbf16, #tpu.memory_space<vmem>>, vector<2048x2048xbf16>
    %dot_general3A = arith.constant dense<0.000000e+00> : vector<512x2048xf32>
    %dot_general3A_7 = tpu.matmul %get3A_3, %get3A_6, %dot_general3A {dimension_numbers = #tpu.dot_dimension_numbers<[1], [0], [0], [1], [0, 0, 1, 1], [], []>, transpose_lhs_hint = false} : vector<512x2048xbf16>, vector<2048x2048xbf16>, vector<512x2048xf32> -> vector<512x2048xf32>
    %get3A_8 = arith.constant 0 : index
    %get3A_9 = arith.constant 0 : index
    %get3A_10 = vector.load %arg3[%get3A_8, %get3A_9] : memref<1x2048xf32, #tpu.memory_space<vmem>>, vector<1x2048xf32>
    %add3A = vector.broadcast %get3A_10 : vector<1x2048xf32> to vector<512x2048xf32>
    %add3A_11 = arith.addf %dot_general3A_7, %add3A : vector<512x2048xf32>
    %swap3A = arith.constant 0 : index
    %swap3A_12 = arith.constant 0 : index
    %swap3A_13 = vector.load %arg4[%swap3A, %swap3A_12] : memref<512x2048xf32, #tpu.memory_space<vmem>>, vector<512x2048xf32>
    tpu.vector_store %arg4[%swap3A, %swap3A_12], %add3A_11 {strides = array<i32>} : memref<512x2048xf32, #tpu.memory_space<vmem>>, vector<512x2048xf32>,
    return
  }
  func.func @transform_0(%arg0: i32) -> (i32, i32) {
    %c0_i32 = arith.constant 0 : i32
    %c0_i32_0 = arith.constant 0 : i32
    return %arg0, %c0_i32 : i32, i32
  }
  func.func @transform_1(%arg0: i32) -> (i32, i32) {
    %c0_i32 = arith.constant 0 : i32
    %c0_i32_0 = arith.constant 0 : i32
    %c0_i32_1 = arith.constant 0 : i32
    return %c0_i32, %c0_i32_0 : i32, i32
  }
  func.func @transform_2(%arg0: i32) -> (i32, i32) {
    %c0_i32 = arith.constant 0 : i32
    %c0_i32_0 = arith.constant 0 : i32
    %c0_i32_1 = arith.constant 0 : i32
    return %c0_i32, %c0_i32_0 : i32, i32
  }
  func.func @transform_3(%arg0: i32) -> (i32, i32) {
    %c0_i32 = arith.constant 0 : i32
    %c0_i32_0 = arith.constant 0 : i32
    return %arg0, %c0_i32 : i32, i32
  }
}

module attributes {stable_mosaic.version = 14 : i64} {
  func.func @_mlp1_body(%arg0: i32, %arg1: memref<512x2048xf32, #tpu.memory_space<vmem>>, %arg2: memref<2048x2048xf32, #tpu.memory_space<vmem>>, %arg3: memref<1x2048xf32, #tpu.memory_space<vmem>>, %arg4: memref<512x2048xbf16, #tpu.memory_space<vmem>>, %arg5: memref<2048x2048xbf16, #tpu.memory_space<vmem>>) attributes {dimension_semantics = [#tpu.dimension_semantics<arbitrary>], iteration_bounds = array<i64: 8>, scalar_prefetch = 0 : i64, scratch_operands = 1 : i64, tpu.core_type = #tpu.core_type<tc>, window_params = [{transform_indices = @transform_0, window_bounds = array<i64: 512, 2048>}, {pipeline_mode = #tpu.pipeline_mode<synchronous>, transform_indices = @transform_1, window_bounds = array<i64: 2048, 2048>}, {pipeline_mode = #tpu.pipeline_mode<synchronous>, transform_indices = @transform_2, window_bounds = array<i64: 1, 2048>}, {transform_indices = @transform_3, window_bounds = array<i64: 512, 2048>}]} {
    %eq3A = arith.constant 0 : i32
    %eq3A_0 = arith.cmpi eq, %arg0, %eq3A : i32
    %convert_element_type3A = arith.extui %eq3A_0 : i1 to i32
    %cond3A = arith.constant 0 : i32
    %cond3A_1 = arith.cmpi ne, %convert_element_type3A, %cond3A : i32
    scf.if %cond3A_1 {
      %get3A_18 = arith.constant 0 : index
      %get3A_19 = arith.constant 0 : index
      %get3A_20 = vector.load %arg2[%get3A_18, %get3A_19] : memref<2048x2048xf32, #tpu.memory_space<vmem>>, vector<2048x2048xf32>
      %convert_element_type3A_21 = arith.truncf %get3A_20 : vector<2048x2048xf32> to vector<2048x2048xbf16>
      %swap3A_22 = arith.constant 0 : index
      %swap3A_23 = arith.constant 0 : index
      %swap3A_24 = vector.load %arg5[%swap3A_22, %swap3A_23] : memref<2048x2048xbf16, #tpu.memory_space<vmem>>, vector<2048x2048xbf16>
      tpu.vector_store %arg5[%swap3A_22, %swap3A_23], %convert_element_type3A_21 {strides = array<i32>} : memref<2048x2048xbf16, #tpu.memory_space<vmem>>, vector<2048x2048xbf16>,
    } else {
    }
    %get3A = arith.constant 0 : index
    %get3A_2 = arith.constant 0 : index
    %get3A_3 = vector.load %arg1[%get3A, %get3A_2] : memref<512x2048xf32, #tpu.memory_space<vmem>>, vector<512x2048xf32>
    %convert_element_type3A_4 = arith.truncf %get3A_3 : vector<512x2048xf32> to vector<512x2048xbf16>
    %get3A_5 = arith.constant 0 : index
    %get3A_6 = arith.constant 0 : index
    %get3A_7 = vector.load %arg5[%get3A_5, %get3A_6] : memref<2048x2048xbf16, #tpu.memory_space<vmem>>, vector<2048x2048xbf16>
    %dot_general3A = arith.constant dense<0.000000e+00> : vector<512x2048xf32>
    %dot_general3A_8 = tpu.matmul %convert_element_type3A_4, %get3A_7, %dot_general3A {dimension_numbers = #tpu.dot_dimension_numbers<[1], [1], [0], [0], [0, 0, 1, 0], [], []>, transpose_lhs_hint = false} : vector<512x2048xbf16>, vector<2048x2048xbf16>, vector<512x2048xf32> -> vector<512x2048xf32>
    %get3A_9 = arith.constant 0 : index
    %get3A_10 = arith.constant 0 : index
    %get3A_11 = vector.load %arg3[%get3A_9, %get3A_10] : memref<1x2048xf32, #tpu.memory_space<vmem>>, vector<1x2048xf32>
    %add3A = vector.broadcast %get3A_11 : vector<1x2048xf32> to vector<512x2048xf32>
    %add3A_12 = arith.addf %dot_general3A_8, %add3A : vector<512x2048xf32>
    %max3A = arith.constant 0.000000e+00 : f32
    %max3A_13 = vector.broadcast %max3A : f32 to vector<512x2048xf32>
    %max3A_14 = arith.maximumf %add3A_12, %max3A_13 : vector<512x2048xf32>
    %convert_element_type3A_15 = arith.truncf %max3A_14 : vector<512x2048xf32> to vector<512x2048xbf16>
    %swap3A = arith.constant 0 : index
    %swap3A_16 = arith.constant 0 : index
    %swap3A_17 = vector.load %arg4[%swap3A, %swap3A_16] : memref<512x2048xbf16, #tpu.memory_space<vmem>>, vector<512x2048xbf16>
    tpu.vector_store %arg4[%swap3A, %swap3A_16], %convert_element_type3A_15 {strides = array<i32>} : memref<512x2048xbf16, #tpu.memory_space<vmem>>, vector<512x2048xbf16>,
    return
  }
  func.func @transform_0(%arg0: i32) -> (i32, i32) {
    %c0_i32 = arith.constant 0 : i32
    %c0_i32_0 = arith.constant 0 : i32
    return %arg0, %c0_i32 : i32, i32
  }
  func.func @transform_1(%arg0: i32) -> (i32, i32) {
    %c0_i32 = arith.constant 0 : i32
    %c0_i32_0 = arith.constant 0 : i32
    %c0_i32_1 = arith.constant 0 : i32
    return %c0_i32, %c0_i32_0 : i32, i32
  }
  func.func @transform_2(%arg0: i32) -> (i32, i32) {
    %c0_i32 = arith.constant 0 : i32
    %c0_i32_0 = arith.constant 0 : i32
    %c0_i32_1 = arith.constant 0 : i32
    return %c0_i32, %c0_i32_0 : i32, i32
  }
  func.func @transform_3(%arg0: i32) -> (i32, i32) {
    %c0_i32 = arith.constant 0 : i32
    %c0_i32_0 = arith.constant 0 : i32
    return %arg0, %c0_i32 : i32, i32
  }
}

</mosaic_0001>

<sc_bundles>
// kernel: kernel.6.cloned.1.call-start
scs
__scs_entry_jumppad:
0x0: {  	(pc) =	sbr.rel $0x88, $3  }
0x1: {  	(tag) =	ssettag $0x0;
	lr =	simm.s32 $0x1  }
0x2: {  	[smem:$0x3F9B] =	sst lr;
	_ =	strace $0xD0000000  }
0x3: {  	_ = 	snop  }
0x4: {  	_ = 	snop  }
0x5: {  	_ = 	snop  }
0x6: {  	_ = 	snop  }
0x7: {  	_ = 	snop  }
__scs_overlays_trampoline_lowered:
0x8: {  	[smem:$0x3FAA] =	sst s0  }
0x9: {  	[smem:$0x3FAB] =	sst s1  }
0xa: {  	[smem:$0x3FAC] =	sst s2  }
0xb: {  	[smem:$0x3FAD] =	sst s3  }
0xc: {  	[smem:$0x3FAE] =	sst s4  }
0xd: {  	[smem:$0x3FAF] =	sst s5  }
0xe: {  	[smem:$0x3FB0] =	sst s6  }
0xf: {  	[smem:$0x3FB1] =	sst s7  }
0x10: {  	[smem:$0x3FB2] =	sst s8  }
0x11: {  	[smem:$0x3FB3] =	sst s9;
	s0 =	simm.s32 @!p0 $0x0  }
0x12: {  	s1 =	sld [smem:$0x3F99];
	s0 =	simm.s32 @p0 $0x1  }
0x13: {  	[smem:$0x3FB4] =	sst s0;
	s0 =	simm.s32 @!p1 $0x0  }
0x14: {  	s2 =	sld [smem:$0x3F98];
	s0 =	simm.s32 @p1 $0x1  }
0x15: {  	[smem:$0x3FB5] =	sst s0;
	s0 =	simm.s32 @!p2 $0x0  }
0x16: {  	s3 =	sld [smem:$0x3FDB];
	s0 =	simm.s32 @p2 $0x1  }
0x17: {  	s4 =	simm.s32 $0x1BF5;
	[smem:$0x3FB7] =	sst s0  }
0x18: {  	s0 =	sld [smem:$0x3F9A];
	_ =	swait.ge [sflag:s4], $0x0  }
0x19: {  	s7 =	sld [smem:$0x3F9B]  }
0x1a: {  	s8 =	sadd.s32 $0xFFFFE003, lr  }
0x1b: {  	s9 =	sadd.s32 $0xFFFFFEF7, lr;
	s5 =	simm.s32 $0xFFFFFFFF;
	p2 =	slt.u32 s8, $0xFFFFF086  }
0x1c: {  	p1 =	slt.u32 s9, $0xF7A;
	s5 =	simm.s32 @!p2 $0x0  }
0x1d: {  	s5 =	simm.s32 @p1 $0x1;
	p0 =	seq.s32 s7, s2  }
0x1e: {  	s7 =	smul.u32 @!p0 $0xF7A, s2;
	p2 =	seq.s32 @!p0 s5, $0x0  }
0x1f: {  	s9 =	smul.u32 $0xF7A, s1;
	s8 =	simm.s32 @!p0 $0x1BF5;
	p2 =	por !p2, p0  }
0x20: {  	[sflag:s8] =	ssyncset.s32 @!p0 $0xFFFFF086;
	s6 =	sadd.s32 @!p0 s3, s7;
	s7 =	simm.s32 @!p0 $0x108  }
0x21: {  	s3 =	sadd.s32 s3, s9;
	s6 =	sadd.s32 @!p0 $0x88, s6;
	s7 =	simm.s32 @p2 $0x1082  }
0x22: {  	[simem:s7], [sflag:s8] =	dma.local @!p0 [hbm:s6], $0xF7A  }
0x23: {  	s9 =	sor.u32 $0xD0000000, s2;
	s6 =	simm.s32 $0x108;
	_ =	swait.ge @!p0 [sflag:s8], $0x0  }
0x24: {  	s3 =	sadd.s32 $0x88, s3;
	s6 =	simm.s32 @!p1 $0x1082;
	[sflag:s4] =	ssyncset.s32 $0xFFFFF086  }
0x25: {  	[simem:s6], [sflag:s4] =	dma.local [hbm:s3], $0xF7A  }
0x26: {  	[smem:$0x3F9B] =	sst s1;
	(tag) =	ssettag s2;
	_ =	strace s9  }
0x27: {  	s1 =	sld [smem:$0x3FAB]  }
0x28: {  	s2 =	sld [smem:$0x3FAC]  }
0x29: {  	s4 =	sld [smem:$0x3FAE]  }
0x2a: {  	p0 =	seq.s32 s5, $0x0;
	s5 =	sld [smem:$0x3FAF]  }
0x2b: {  	s6 =	sld [smem:$0x3FB0]  }
0x2c: {  	s7 =	sld [smem:$0x3FB1]  }
0x2d: {  	s3 =	simm.s32 $0x108;
	s8 =	sld [smem:$0x3FB2]  }
0x2e: {  	s3 =	simm.s32 @!p0 $0x1082;
	s9 =	sld [smem:$0x3FB3]  }
0x2f: {  	lr =	sadd.s32 s0, s3;
	s0 =	sld [smem:$0x3FAA]  }
0x30: {  	s3 =	sld [smem:$0x3FAD]  }
0x31: {  	[smem:$0x3FB6] =	sst s10  }
0x32: {  	s10 =	sld [smem:$0x3FB4];
	_ =	sdelay $0x3  }
0x33: {  	p0 =	seq.s32 s10, $0x1;
	s10 =	sld [smem:$0x3FB6];
	_ =	sdelay $0x3  }
0x34: {  	[smem:$0x3FB6] =	sst s10  }
0x35: {  	s10 =	sld [smem:$0x3FB5];
	_ =	sdelay $0x3  }
0x36: {  	p1 =	seq.s32 s10, $0x1;
	s10 =	sld [smem:$0x3FB6];
	_ =	sdelay $0x3  }
0x37: {  	[smem:$0x3FB6] =	sst s10  }
0x38: {  	s10 =	sld [smem:$0x3FB7]  }
0x39: {  	_ = 	snop;
	(pc) =	sbr.ind lr, $3  }
0x3a: {  	_ = 	snop  }
0x3b: {  	_ = 	snop  }
0x3c: {  	p2 =	seq.s32 s10, $0x1;
	s10 =	sld [smem:$0x3FB6]  }
0x3d: {  	_ =	shalt  }
0x3e: {  	_ =	shalt  }
0x3f: {  	_ =	shalt  }
0x40: {  	_ =	shalt  }
0x41: {  	_ =	shalt  }
0x42: {  	_ =	shalt  }
0x43: {  	_ =	shalt  }
0x44: {  	_ =	shalt  }
0x45: {  	_ =	shalt  }
0x46: {  	_ =	shalt  }
0x47: {  	_ =	shalt  }
0x48: {  	_ =	shalt  }
0x49: {  	_ =	shalt  }
0x4a: {  	_ =	shalt  }
0x4b: {  	_ =	shalt  }
0x4c: {  	_ =	shalt  }
0x4d: {  	_ =	shalt  }
0x4e: {  	_ =	shalt  }
0x4f: {  	_ =	shalt  }
0x50: {  	_ =	shalt  }
0x51: {  	_ =	shalt  }
0x52: {  	_ =	shalt  }
0x53: {  	_ =	shalt  }
0x54: {  	_ =	shalt  }
0x55: {  	_ =	shalt  }
0x56: {  	_ =	shalt  }
0x57: {  	_ =	shalt  }
0x58: {  	_ =	shalt  }
0x59: {  	_ =	shalt  }
0x5a: {  	_ =	shalt  }
0x5b: {  	_ =	shalt  }
0x5c: {  	_ =	shalt  }
0x5d: {  	_ =	shalt  }
0x5e: {  	_ =	shalt  }
0x5f: {  	_ =	shalt  }
0x60: {  	_ =	shalt  }
0x61: {  	_ =	shalt  }
0x62: {  	_ =	shalt  }
0x63: {  	_ =	shalt  }
0x64: {  	_ =	shalt  }
0x65: {  	_ =	shalt  }
0x66: {  	_ =	shalt  }
0x67: {  	_ =	shalt  }
0x68: {  	_ =	shalt  }
0x69: {  	_ =	shalt  }
0x6a: {  	_ =	shalt  }
0x6b: {  	_ =	shalt  }
0x6c: {  	_ =	shalt  }
0x6d: {  	_ =	shalt  }
0x6e: {  	_ =	shalt  }
0x6f: {  	_ =	shalt  }
0x70: {  	_ =	shalt  }
0x71: {  	_ =	shalt  }
0x72: {  	_ =	shalt  }
0x73: {  	_ =	shalt  }
0x74: {  	_ =	shalt  }
0x75: {  	_ =	shalt  }
0x76: {  	_ =	shalt  }
0x77: {  	_ =	shalt  }
0x78: {  	_ =	shalt  }
0x79: {  	_ =	shalt  }
0x7a: {  	_ =	shalt  }
0x7b: {  	_ =	shalt  }
0x7c: {  	_ =	shalt  }
0x7d: {  	_ =	shalt  }
0x7e: {  	_ =	shalt  }
0x7f: {  	_ =	shalt  }
0x80: {  	_ =	shalt  }
0x81: {  	_ =	shalt  }
0x82: {  	_ =	shalt  }
0x83: {  	_ =	shalt  }
0x84: {  	_ =	shalt  }
0x85: {  	_ =	shalt  }
0x86: {  	_ =	shalt  }
0x87: {  	_ =	shalt  }
.Lfunc_end0:
.L_simem_size_0:
called_computation_lowered:
.L_overlay_start_0:
0x88: {  	s2 =	sld [smem:$0x3FD9]  }
0x89: {  	s3 =	sld [smem:$0x3FFE];
	_ =	sdelay $0x1  }
0x8a: {  	s1 =	srdreg.scid  }
0x8b: {  	s0 =	sand.u32 $0x1, s1  }
0x8c: {  	s17 =	sshll.u32 s0, $0xA;
	s2 =	sadd.s32 s3, s2  }
0x8d: {  	s2 =	sadd.s32 s2, s17  }
0x8e: {  	[smem:$0x3FC2] =	sst s2  }
0x8f: {  	_ = 	snop  }
0x90: {  	s2 =	sld [smem:$0x3FC8]  }
0x91: {  	s18 =	sld [smem:$0x3FC7]  }
0x92: {  	s4 =	sld [smem:$0x3FC6]  }
0x93: {  	s5 =	sld [smem:$0x3FD0];
	(tm) =	ssettm $0x1  }
0x94: {  	s6 =	sld [smem:$0x3FFB];
	_ =	sdelay $0x3  }
0x95: {  	_ =	strace s6  }
0x96: {  	s6 =	sld [smem:$0x3FFC];
	_ =	sdelay $0x3  }
0x97: {  	_ =	strace s6  }
0x98: {  	s6 =	sld [smem:$0x3FFD];
	_ =	sdelay $0x3  }
0x99: {  	_ =	strace s6  }
0x9a: {  	_ =	strace $0x8FFFFFFF  }
0x9b: {  	s19 =	sld [smem:$0x3FDB];
	_ =	sdelay $0x1  }
0x9c: {  	s7 =	simm.s32 $_scs_section_size  }
0x9d: {  	s8 =	simm.s32 $_size__tile_overlayer_lowered;
	s9 =	simm.s32 $_tile_overlayer_lowered  }
0x9e: {  	s22 =	simm.s32 $0x1BFF;
	s21 =	sshll.u32 s9, $0x1;
	s6 =	sadd.s32 s7, s19  }
0x9f: {  	s10 =	simm.s32 $0x0;
	s20 =	sshll.u32 s8, $0x1;
	s8 =	sadd.s32 s21, s6  }
0xa0: {  	[timem:s10], [sflag:s22] =	dma.local [hbm:s8], s20  }
0xa1: {  	_ =	swait.ge [sflag:s22], s20  }
0xa2: {  	s7 =	ssub.s32 $0x0, s20;
	[sflag:s22] =	ssyncset.done $0x0  }
0xa3: {  	[sflag:s22] =	ssyncadd.s32 s7;
	_ =	sdelay $0x1  }
0xa4: {  	s23 =	simm.s32 $0x1B8B  }
0xa5: {  	_ =	swait.ge [sflag:s23], $0x1  }
0xa6: {  	[sflag:s23] =	ssyncset.done $0x0  }
0xa7: {  	s25 =	simm.s32 $0x1B8E;
	s24 =	sld [smem:$0x3FFE];
	[sflag:s23] =	ssyncadd.s32 $0xFFFFFFFF  }
0xa8: {  	s26 =	simm.s32 $execute0_lowered;
	[smem:$0x3FD2] =	sst s25  }
0xa9: {  	s8 =	sshll.u32 s26, $0x1;
	_ =	strace $0x80000046;
	[dreg:$0x1] =	wrdreg $0xFFFFFFFF  }
0xaa: {  	s28 =	simm.s32 $_size_execute0_lowered;
	s6 =	sadd.s32 s6, s8;
	[dreg:$0x0] =	wrdreg $0x0  }
0xab: {  	s8 =	sshll.u32 s28, $0x1;
	[dreg:$0x2] =	wrdreg s6  }
0xac: {  	[dreg:$0x3] =	wrdreg s8  }
0xad: {  	[dreg:$0x4] =	wrdreg $0xC0  }
0xae: {  	_ =	task [dreg:s10], $0x5FFFF  }
0xaf: {  	[dreg:$0x1] =	wrdreg $0xFFFFFFFF  }
0xb0: {  	[dreg:$0x0] =	wrdreg $0x60  }
0xb1: {  	[dreg:$0x2] =	wrdreg s18  }
0xb2: {  	[dreg:$0x3] =	wrdreg s4  }
0xb3: {  	[dreg:$0x4] =	wrdreg s2  }
0xb4: {  	[dreg:$0x5] =	wrdreg s5  }
0xb5: {  	[dreg:$0x6] =	wrdreg s24  }
0xb6: {  	[dreg:$0x7] =	wrdreg $0x9  }
0xb7: {  	_ =	task.clear_ibuf [dreg:s10], $0x8FFFF;
	_ =	strace $0x90000046  }
0xb8: {  	s29 =	simm.s32 $0x9;
	_ =	strace $0x80000048  }
0xb9: {  	_ =	swait.ge [sflag:s29], $0x1  }
0xba: {  	[sflag:s29] =	ssyncadd.s32 $0xFFFFFFFF  }
0xbb: {  	_ =	strace $0x90000048  }
0xbc: {  	_ =	sfence  }
0xbd: {  	s30 =	sld [smem:$0x0];
	_ =	sdelay $0x2  }
0xbe: {  	s31 =	sshll.u32 s1, $0xD;
	s1 =	sshrl.u32 s1, $0x2  }
0xbf: {  	s3 =	sand.u32 $0x4000, s31;
	s1 =	sadd.s32 s1, s30  }
0xc0: {  	s0 =	sor.u32 s3, s0;
	s1 =	sshll.u32 s1, $0x11  }
0xc1: {  	s0 =	sor.u32 s1, s0  }
0xc2: {  	s0 =	sadd.s32 $0x8F2B, s0  }
0xc3: {  	[sflag:s0] =	ssyncadd.remote.s32 $0x1  }
0xc4: {  	_ =	sfence.sel $0xFFFF  }
0xc5: {  	[dreg:$0x0] =	wrdreg $0xFFFFFFFF;
	(pc) =	sbr.abs _section_cstart, $3  }
0xc6: {  	[dreg:$0x1] =	wrdreg $0xFFFFFFFF  }
0xc7: {  	_ =	task.clear_ibuf [dreg:s10], $0x2FFFF;
	_ =	strace $0x9FFFFFFF  }
0xc8: {  	(tm) =	ssettm $0x7FFFFFFF  }
0xc9: {  	_ =	shalt  }
tec
execute0_lowered:
.L_overlay_start_1:
0x0: {  	(tag) =	ssettag $0x1  }
0x1: {  	s0 =	rddreg [dreg:$0x0]  }
0x2: {  	s1 =	rddreg [dreg:$0x1]  }
0x3: {  	s21 =	rddreg [dreg:$0x2]  }
0x4: {  	s2 =	rddreg [dreg:$0x3]  }
0x5: {  	s4 =	rddreg [dreg:$0x4];
	s3 =	srdreg.scid  }
0x6: {  	s6 =	stileid.u32;
	s30 =	simm.s32 $0x12080;
	s13 =	simm.s32 $0x5  }
0x7: {  	s16 =	simm.s32 $0x80;
	s19 =	simm.s32 $0x1080;
	s20 =	simm.s32 $0x1880  }
0x8: {  	s28 =	simm.s32 $0x5880;
	s29 =	simm.s32 $0x6080;
	s15 =	simm.s32 $0x6880  }
0x9: {  	s31 =	simm.s32 $0x8080;
	[dreg:$0x6] =	wrdreg s1;
	s5 =	sand.u32 $0x1, s3  }
0xa: {  	s3 =	simm.s32 $0x0;
	s6 =	sshll.u32 s6, $0x7;
	s9 =	sadd.s32 $0x500, s0  }
0xb: {  	s10 =	sadd.s32 $0x600, s0;
	s11 =	sadd.s32 $0x700, s0;
	s7 =	sshll.u32 s5, $0x6  }
0xc: {  	[smem:$0x7FF] =	sst s3;
	s5 =	ssub.s32 $0x2, s5;
	s6 =	sor.u32 s7, s6  }
0xd: {  	_ =	strace $0x80000047;
	s8 =	sshrl.u32 s5, $0x1;
	[dreg:$0xc] =	wrdreg s30  }
0xe: {  	s7 =	sshrl.u32 s6, $0x3;
	s22 =	ssub.s32 s5, s8;
	s24 =	sshll.u32 s6, $0x8  }
0xf: {  	s5 =	sadd.s32 $0x200, s0;
	s6 =	sadd.s32 $0x300, s0;
	s1 =	sadd.s32 s21, s7  }
0x10: {  	s4 =	sadd.s32 s7, s4;
	s2 =	sadd.s32 s2, s24;
	[dreg:$0x7] =	wrdreg s1  }
0x11: {  	s8 =	sadd.s32 $0x400, s0;
	s23 =	sadd.s32 $0xC00, s4;
	[dreg:$0xd] =	wrdreg s2  }
0x12: {  	s12 =	smax.u32 s22, $0x1;
	s1 =	sadd.s32 $0x1000, s2;
	[dreg:$0x8] =	wrdreg s23  }
0x13: {  	s21 =	simm.s32 $0x2080;
	s25 =	sadd.s32 $0x2000, s2;
	[dreg:$0x9] =	wrdreg s1  }
0x14: {  	v2 =	vlaneseq.u32;
	s22 =	simm.s32 $0x2880;
	s26 =	sadd.s32 $0x3000, s2;
	[dreg:$0xa] =	wrdreg s25  }
0x15: {  	vm0 =	vmmov $0xffff;
	v1 =	vshrl.u32 v2, $0x3;
	s24 =	simm.s32 $0x4080;
	s4 =	sadd.s32 $0x100, s0;
	[dreg:$0xb] =	wrdreg s26  }
0x16: {  	v0 =	vand.u32 $0x7, v2;
	v2 =	vor.u32 $0x8, v2;
	v1 =	vmul.u32 $0x8, v1;
	s23 =	simm.s32 $0x3080;
	s25 =	simm.s32 $0x4880;
	s26 =	simm.s32 $0x5080  }
.LBB2_1:
0x17: {  	s17 =	rddreg [dreg:$0x7]  }
0x18: {  	[tilespmem:s3], [sflag:$0x5] =	stream.linear.gather [hbm4b:s17+s3], $0x40, $0x38;
	[tilespmem:$0x12100] =	vst v63  }
0x19: {  	_ =	swait.ge [sflag:s13], $0x40  }
0x1a: {  	[sflag:s13] =	ssyncset.done $0x0  }
0x1b: {  	s1 =	simm.s32 $0x10080;
	s30 =	rddreg [dreg:$0x6];
	[sflag:s13] =	ssyncadd.s32 $0xFFFFFFC0  }
0x1c: {  	[tilespmem:s1], [sflag:$0x5] =	stream.linear.gather [hbm4b:s30+s3], $0x2000, $0x38;
	[tilespmem:$0x12100] =	vst v63  }
0x1d: {  	_ =	swait.ge [sflag:s13], $0x2000  }
0x1e: {  	[sflag:s13] =	ssyncset.done $0x0  }
0x1f: {  	[sflag:s13] =	ssyncadd.s32 $0xFFFFE000  }
0x20: {  	v3 =	vld [tilespmem:$0x0];
	_ =	sdelay $0x5  }
0x21: {  	v4 =	vld [tilespmem:$0x10];
	_ =	sdelay $0x1  }
0x22: {  	v3 =	vld.idx.msk [tilespmem:v3+s1+$0x0], $0xffff;
	_ =	sdelay $0x3  }
0x23: {  	v5 =	vld [tilespmem:$0x20]  }
0x24: {  	[tilespmem:$0x12080] =	vst v3  }
0x25: {  	v3 =	vld.idx.msk [tilespmem:v4+s1+$0x0], $0xffff;
	_ =	sdelay $0x3  }
0x26: {  	v59 =	vld [tilespmem:$0x30]  }
0x27: {  	[tilespmem:$0x12090] =	vst v3  }
0x28: {  	v3 =	vld.idx.msk [tilespmem:v5+s1+$0x0], $0xffff;
	_ =	sdelay $0x4  }
0x29: {  	[tilespmem:$0x120A0] =	vst v3  }
0x2a: {  	v3 =	vld.idx.msk [tilespmem:v59+s1+$0x0], $0xffff;
	_ =	sdelay $0x3  }
0x2b: {  	s0 =	rddreg [dreg:$0x8]  }
0x2c: {  	s18 =	rddreg [dreg:$0xc];
	[tilespmem:$0x120B0] =	vst v3  }
0x2d: {  	[hbm4b:s0+s3] =	stream.linear.scatter [tilespmem:s18], [sflag:$0x5], $0x40, $0x38;
	[tilespmem:$0x12100] =	vst v63  }
0x2e: {  	_ =	swait.ge [sflag:s13], $0x40  }
0x2f: {  	[sflag:s13] =	ssyncset.done $0x0  }
0x30: {  	[sflag:s13] =	ssyncadd.s32 $0xFFFFFFC0  }
0x31: {  	v3 =	vld [tilespmem:$0x0];
	_ =	sdelay $0x4  }
0x32: {  	v60 =	vshll.u32 v3, $0x4  }
0x33: {  	v3 =	vand.u32 $0x7, v3;
	v4 =	vand.u32 $0xFFFFFF80, v60  }
0x34: {  	v3 =	vor.u32 v3, v4  }
0x35: {  	v4 =	vperm.xlane v3, v0;
	_ =	sdelay $0x1  }
0x36: {  	v4 =	vadd.s32 v1, v4;
	_ =	sdelay $0x3  }
0x37: {  	s30 =	rddreg [dreg:$0x0]  }
0x38: {  	[tilespmem:s16], [sflag:$0x1] =	stream.indirect_vreg.gather [hbm4b:s30+s3], $0x80, v4, vm0, $0xb8;
	[tilespmem:$0x12100] =	vst v63  }
0x39: {  	s18 =	simm.s32 $0x880  }
0x3a: {  	[tilespmem:s18], [sflag:$0x1] =	stream.indirect_vreg.gather [hbm4b:s4+s3], $0x80, v4, vm0, $0xb8;
	[tilespmem:$0x12100] =	vst v63  }
0x3b: {  	_ = 	snop  }
0x3c: {  	[tilespmem:s19], [sflag:$0x1] =	stream.indirect_vreg.gather [hbm4b:s5+s3], $0x80, v4, vm0, $0xb8;
	[tilespmem:$0x12100] =	vst v63  }
0x3d: {  	_ = 	snop  }
0x3e: {  	[tilespmem:s20], [sflag:$0x1] =	stream.indirect_vreg.gather [hbm4b:s6+s3], $0x80, v4, vm0, $0xb8;
	[tilespmem:$0x12100] =	vst v63  }
0x3f: {  	_ = 	snop  }
0x40: {  	[tilespmem:s21], [sflag:$0x1] =	stream.indirect_vreg.gather [hbm4b:s8+s3], $0x80, v4, vm0, $0xb8;
	[tilespmem:$0x12100] =	vst v63  }
0x41: {  	v3 =	vperm.xlane v3, v2  }
0x42: {  	[tilespmem:s22], [sflag:$0x1] =	stream.indirect_vreg.gather [hbm4b:s9+s3], $0x80, v4, vm0, $0xb8;
	[tilespmem:$0x12100] =	vst v63  }
0x43: {  	v3 =	vadd.s32 v1, v3  }
0x44: {  	[tilespmem:s23], [sflag:$0x1] =	stream.indirect_vreg.gather [hbm4b:s10+s3], $0x80, v4, vm0, $0xb8;
	[tilespmem:$0x12100] =	vst v63  }
0x45: {  	s7 =	simm.s32 $0x3880  }
0x46: {  	[tilespmem:s7], [sflag:$0x1] =	stream.indirect_vreg.gather [hbm4b:s11+s3], $0x80, v4, vm0, $0xb8;
	[tilespmem:$0x12100] =	vst v63  }
0x47: {  	_ = 	snop  }
0x48: {  	[tilespmem:s24], [sflag:$0x1] =	stream.indirect_vreg.gather [hbm4b:s30+s3], $0x80, v3, vm0, $0xb8;
	[tilespmem:$0x12100] =	vst v63  }
0x49: {  	_ = 	snop  }
0x4a: {  	[tilespmem:s25], [sflag:$0x1] =	stream.indirect_vreg.gather [hbm4b:s4+s3], $0x80, v3, vm0, $0xb8;
	[tilespmem:$0x12100] =	vst v63  }
0x4b: {  	_ = 	snop  }
0x4c: {  	[tilespmem:s26], [sflag:$0x1] =	stream.indirect_vreg.gather [hbm4b:s5+s3], $0x80, v3, vm0, $0xb8;
	[tilespmem:$0x12100] =	vst v63  }
0x4d: {  	_ = 	snop  }
0x4e: {  	[tilespmem:s28], [sflag:$0x1] =	stream.indirect_vreg.gather [hbm4b:s6+s3], $0x80, v3, vm0, $0xb8;
	[tilespmem:$0x12100] =	vst v63  }
0x4f: {  	_ = 	snop  }
0x50: {  	[tilespmem:s29], [sflag:$0x1] =	stream.indirect_vreg.gather [hbm4b:s8+s3], $0x80, v3, vm0, $0xb8;
	[tilespmem:$0x12100] =	vst v63  }
0x51: {  	_ = 	snop  }
0x52: {  	[tilespmem:s15], [sflag:$0x1] =	stream.indirect_vreg.gather [hbm4b:s9+s3], $0x80, v3, vm0, $0xb8;
	[tilespmem:$0x12100] =	vst v63  }
0x53: {  	s14 =	simm.s32 $0x7080  }
0x54: {  	[tilespmem:s14], [sflag:$0x1] =	stream.indirect_vreg.gather [hbm4b:s10+s3], $0x80, v3, vm0, $0xb8;
	[tilespmem:$0x12100] =	vst v63  }
0x55: {  	s2 =	simm.s32 $0x7880  }
0x56: {  	[tilespmem:s2], [sflag:$0x1] =	stream.indirect_vreg.gather [hbm4b:s11+s3], $0x80, v3, vm0, $0xb8;
	[tilespmem:$0x12100] =	vst v63  }
0x57: {  	v3 =	vld [tilespmem:$0x10];
	_ =	sdelay $0x4  }
0x58: {  	v61 =	vshll.u32 v3, $0x4  }
0x59: {  	v3 =	vand.u32 $0x7, v3;
	v4 =	vand.u32 $0xFFFFFF80, v61  }
0x5a: {  	v3 =	vor.u32 v3, v4  }
0x5b: {  	v4 =	vperm.xlane v3, v0;
	_ =	sdelay $0x1  }
0x5c: {  	v4 =	vadd.s32 v1, v4;
	_ =	sdelay $0x4  }
0x5d: {  	[tilespmem:s31], [sflag:$0x2] =	stream.indirect_vreg.gather [hbm4b:s30+s3], $0x80, v4, vm0, $0xb8;
	[tilespmem:$0x12100] =	vst v63  }
0x5e: {  	s0 =	simm.s32 $0x8880  }
0x5f: {  	[tilespmem:s0], [sflag:$0x2] =	stream.indirect_vreg.gather [hbm4b:s4+s3], $0x80, v4, vm0, $0xb8;
	[tilespmem:$0x12100] =	vst v63  }
0x60: {  	s1 =	simm.s32 $0x9080  }
0x61: {  	[tilespmem:s1], [sflag:$0x2] =	stream.indirect_vreg.gather [hbm4b:s5+s3], $0x80, v4, vm0, $0xb8;
	[tilespmem:$0x12100] =	vst v63  }
0x62: {  	s17 =	simm.s32 $0x9880  }
0x63: {  	[tilespmem:s17], [sflag:$0x2] =	stream.indirect_vreg.gather [hbm4b:s6+s3], $0x80, v4, vm0, $0xb8;
	[tilespmem:$0x12100] =	vst v63  }
0x64: {  	s1 =	simm.s32 $0xA080  }
0x65: {  	[tilespmem:s1], [sflag:$0x2] =	stream.indirect_vreg.gather [hbm4b:s8+s3], $0x80, v4, vm0, $0xb8;
	[tilespmem:$0x12100] =	vst v63  }
0x66: {  	v3 =	vperm.xlane v3, v2;
	s17 =	simm.s32 $0xA880  }
0x67: {  	[tilespmem:s17], [sflag:$0x2] =	stream.indirect_vreg.gather [hbm4b:s9+s3], $0x80, v4, vm0, $0xb8;
	[tilespmem:$0x12100] =	vst v63  }
0x68: {  	v3 =	vadd.s32 v1, v3;
	s1 =	simm.s32 $0xB080  }
0x69: {  	[tilespmem:s1], [sflag:$0x2] =	stream.indirect_vreg.gather [hbm4b:s10+s3], $0x80, v4, vm0, $0xb8;
	[tilespmem:$0x12100] =	vst v63  }
0x6a: {  	s17 =	simm.s32 $0xB880  }
0x6b: {  	[tilespmem:s17], [sflag:$0x2] =	stream.indirect_vreg.gather [hbm4b:s11+s3], $0x80, v4, vm0, $0xb8;
	[tilespmem:$0x12100] =	vst v63  }
0x6c: {  	s1 =	simm.s32 $0xC080  }
0x6d: {  	[tilespmem:s1], [sflag:$0x2] =	stream.indirect_vreg.gather [hbm4b:s30+s3], $0x80, v3, vm0, $0xb8;
	[tilespmem:$0x12100] =	vst v63  }
0x6e: {  	s17 =	simm.s32 $0xC880  }
0x6f: {  	[tilespmem:s17], [sflag:$0x2] =	stream.indirect_vreg.gather [hbm4b:s4+s3], $0x80, v3, vm0, $0xb8;
	[tilespmem:$0x12100] =	vst v63  }
0x70: {  	s1 =	simm.s32 $0xD080  }
0x71: {  	[tilespmem:s1], [sflag:$0x2] =	stream.indirect_vreg.gather [hbm4b:s5+s3], $0x80, v3, vm0, $0xb8;
	[tilespmem:$0x12100] =	vst v63  }
0x72: {  	s17 =	simm.s32 $0xD880  }
0x73: {  	[tilespmem:s17], [sflag:$0x2] =	stream.indirect_vreg.gather [hbm4b:s6+s3], $0x80, v3, vm0, $0xb8;
	[tilespmem:$0x12100] =	vst v63  }
0x74: {  	s1 =	simm.s32 $0xE080  }
0x75: {  	[tilespmem:s1], [sflag:$0x2] =	stream.indirect_vreg.gather [hbm4b:s8+s3], $0x80, v3, vm0, $0xb8;
	[tilespmem:$0x12100] =	vst v63  }
0x76: {  	s17 =	simm.s32 $0xE880  }
0x77: {  	[tilespmem:s17], [sflag:$0x2] =	stream.indirect_vreg.gather [hbm4b:s9+s3], $0x80, v3, vm0, $0xb8;
	[tilespmem:$0x12100] =	vst v63  }
0x78: {  	s1 =	simm.s32 $0xF080  }
0x79: {  	[tilespmem:s1], [sflag:$0x2] =	stream.indirect_vreg.gather [hbm4b:s10+s3], $0x80, v3, vm0, $0xb8;
	[tilespmem:$0x12100] =	vst v63  }
0x7a: {  	s0 =	simm.s32 $0x1;
	s17 =	simm.s32 $0xF880  }
0x7b: {  	[tilespmem:s17], [sflag:$0x2] =	stream.indirect_vreg.gather [hbm4b:s11+s3], $0x80, v3, vm0, $0xb8;
	[tilespmem:$0x12100] =	vst v63  }
0x7c: {  	_ =	swait.ge [sflag:s0], $0x8000  }
0x7d: {  	[sflag:s0] =	ssyncset.done $0x0  }
0x7e: {  	s1 =	rddreg [dreg:$0xd];
	[sflag:s0] =	ssyncadd.s32 $0xFFFF8000  }
0x7f: {  	[hbm4b:s1+s3] =	stream.linear.scatter [tilespmem:s16], [sflag:$0x3], $0x8000, $0x38;
	[tilespmem:$0x12100] =	vst v63  }
0x80: {  	s1 =	simm.s32 $0x3  }
0x81: {  	_ =	swait.ge [sflag:s1], $0x8000  }
0x82: {  	[sflag:s1] =	ssyncset.done $0x0  }
0x83: {  	[sflag:s1] =	ssyncadd.s32 $0xFFFF8000  }
0x84: {  	v3 =	vld [tilespmem:$0x20];
	_ =	sdelay $0x4  }
0x85: {  	v62 =	vshll.u32 v3, $0x4  }
0x86: {  	v3 =	vand.u32 $0x7, v3;
	v4 =	vand.u32 $0xFFFFFF80, v62  }
0x87: {  	v3 =	vor.u32 v3, v4  }
0x88: {  	v4 =	vperm.xlane v3, v0;
	_ =	sdelay $0x1  }
0x89: {  	v4 =	vadd.s32 v1, v4;
	_ =	sdelay $0x4  }
0x8a: {  	[tilespmem:s16], [sflag:$0x1] =	stream.indirect_vreg.gather [hbm4b:s30+s3], $0x80, v4, vm0, $0xb8;
	[tilespmem:$0x12100] =	vst v63  }
0x8b: {  	_ = 	snop  }
0x8c: {  	[tilespmem:s18], [sflag:$0x1] =	stream.indirect_vreg.gather [hbm4b:s4+s3], $0x80, v4, vm0, $0xb8;
	[tilespmem:$0x12100] =	vst v63  }
0x8d: {  	_ = 	snop  }
0x8e: {  	[tilespmem:s19], [sflag:$0x1] =	stream.indirect_vreg.gather [hbm4b:s5+s3], $0x80, v4, vm0, $0xb8;
	[tilespmem:$0x12100] =	vst v63  }
0x8f: {  	_ = 	snop  }
0x90: {  	[tilespmem:s20], [sflag:$0x1] =	stream.indirect_vreg.gather [hbm4b:s6+s3], $0x80, v4, vm0, $0xb8;
	[tilespmem:$0x12100] =	vst v63  }
0x91: {  	_ = 	snop  }
0x92: {  	[tilespmem:s21], [sflag:$0x1] =	stream.indirect_vreg.gather [hbm4b:s8+s3], $0x80, v4, vm0, $0xb8;
	[tilespmem:$0x12100] =	vst v63  }
0x93: {  	v3 =	vperm.xlane v3, v2  }
0x94: {  	[tilespmem:s22], [sflag:$0x1] =	stream.indirect_vreg.gather [hbm4b:s9+s3], $0x80, v4, vm0, $0xb8;
	[tilespmem:$0x12100] =	vst v63  }
0x95: {  	v3 =	vadd.s32 v1, v3  }
0x96: {  	[tilespmem:s23], [sflag:$0x1] =	stream.indirect_vreg.gather [hbm4b:s10+s3], $0x80, v4, vm0, $0xb8;
	[tilespmem:$0x12100] =	vst v63  }
0x97: {  	_ = 	snop  }
0x98: {  	[tilespmem:s7], [sflag:$0x1] =	stream.indirect_vreg.gather [hbm4b:s11+s3], $0x80, v4, vm0, $0xb8;
	[tilespmem:$0x12100] =	vst v63  }
0x99: {  	_ = 	snop  }
0x9a: {  	[tilespmem:s24], [sflag:$0x1] =	stream.indirect_vreg.gather [hbm4b:s30+s3], $0x80, v3, vm0, $0xb8;
	[tilespmem:$0x12100] =	vst v63  }
0x9b: {  	_ = 	snop  }
0x9c: {  	[tilespmem:s25], [sflag:$0x1] =	stream.indirect_vreg.gather [hbm4b:s4+s3], $0x80, v3, vm0, $0xb8;
	[tilespmem:$0x12100] =	vst v63  }
0x9d: {  	_ = 	snop  }
0x9e: {  	[tilespmem:s26], [sflag:$0x1] =	stream.indirect_vreg.gather [hbm4b:s5+s3], $0x80, v3, vm0, $0xb8;
	[tilespmem:$0x12100] =	vst v63  }
0x9f: {  	_ = 	snop  }
0xa0: {  	[tilespmem:s28], [sflag:$0x1] =	stream.indirect_vreg.gather [hbm4b:s6+s3], $0x80, v3, vm0, $0xb8;
	[tilespmem:$0x12100] =	vst v63  }
0xa1: {  	_ = 	snop  }
0xa2: {  	[tilespmem:s29], [sflag:$0x1] =	stream.indirect_vreg.gather [hbm4b:s8+s3], $0x80, v3, vm0, $0xb8;
	[tilespmem:$0x12100] =	vst v63  }
0xa3: {  	_ = 	snop  }
0xa4: {  	[tilespmem:s15], [sflag:$0x1] =	stream.indirect_vreg.gather [hbm4b:s9+s3], $0x80, v3, vm0, $0xb8;
	[tilespmem:$0x12100] =	vst v63  }
0xa5: {  	_ = 	snop  }
0xa6: {  	[tilespmem:s14], [sflag:$0x1] =	stream.indirect_vreg.gather [hbm4b:s10+s3], $0x80, v3, vm0, $0xb8;
	[tilespmem:$0x12100] =	vst v63  }
0xa7: {  	_ = 	snop  }
0xa8: {  	[tilespmem:s2], [sflag:$0x1] =	stream.indirect_vreg.gather [hbm4b:s11+s3], $0x80, v3, vm0, $0xb8;
	[tilespmem:$0x12100] =	vst v63  }
0xa9: {  	s2 =	simm.s32 $0x2  }
0xaa: {  	_ =	swait.ge [sflag:s2], $0x8000  }
0xab: {  	[sflag:s2] =	ssyncset.done $0x0  }
0xac: {  	s7 =	simm.s32 $0x4;
	s14 =	rddreg [dreg:$0x9];
	[sflag:s2] =	ssyncadd.s32 $0xFFFF8000  }
0xad: {  	[hbm4b:s14+s3] =	stream.linear.scatter [tilespmem:s31], [sflag:$0x4], $0x8000, $0x38;
	[tilespmem:$0x12100] =	vst v63  }
0xae: {  	_ =	swait.ge [sflag:s7], $0x8000  }
0xaf: {  	[sflag:s7] =	ssyncset.done $0x0  }
0xb0: {  	[sflag:s7] =	ssyncadd.s32 $0xFFFF8000  }
0xb1: {  	v3 =	vld [tilespmem:$0x30];
	_ =	sdelay $0x4  }
0xb2: {  	v63 =	vshll.u32 v3, $0x4  }
0xb3: {  	v3 =	vand.u32 $0x7, v3;
	v4 =	vand.u32 $0xFFFFFF80, v63  }
0xb4: {  	v3 =	vor.u32 v3, v4  }
0xb5: {  	v4 =	vperm.xlane v3, v0;
	_ =	sdelay $0x1  }
0xb6: {  	v4 =	vadd.s32 v1, v4;
	_ =	sdelay $0x4  }
0xb7: {  	[tilespmem:s31], [sflag:$0x2] =	stream.indirect_vreg.gather [hbm4b:s30+s3], $0x80, v4, vm0, $0xb8;
	[tilespmem:$0x12100] =	vst v63  }
0xb8: {  	s17 =	simm.s32 $0x8880  }
0xb9: {  	[tilespmem:s17], [sflag:$0x2] =	stream.indirect_vreg.gather [hbm4b:s4+s3], $0x80, v4, vm0, $0xb8;
	[tilespmem:$0x12100] =	vst v63  }
0xba: {  	s18 =	simm.s32 $0x9080  }
0xbb: {  	[tilespmem:s18], [sflag:$0x2] =	stream.indirect_vreg.gather [hbm4b:s5+s3], $0x80, v4, vm0, $0xb8;
	[tilespmem:$0x12100] =	vst v63  }
0xbc: {  	s17 =	simm.s32 $0x9880  }
0xbd: {  	[tilespmem:s17], [sflag:$0x2] =	stream.indirect_vreg.gather [hbm4b:s6+s3], $0x80, v4, vm0, $0xb8;
	[tilespmem:$0x12100] =	vst v63  }
0xbe: {  	s18 =	simm.s32 $0xA080  }
0xbf: {  	[tilespmem:s18], [sflag:$0x2] =	stream.indirect_vreg.gather [hbm4b:s8+s3], $0x80, v4, vm0, $0xb8;
	[tilespmem:$0x12100] =	vst v63  }
0xc0: {  	v3 =	vperm.xlane v3, v2;
	s17 =	simm.s32 $0xA880  }
0xc1: {  	[tilespmem:s17], [sflag:$0x2] =	stream.indirect_vreg.gather [hbm4b:s9+s3], $0x80, v4, vm0, $0xb8;
	[tilespmem:$0x12100] =	vst v63  }
0xc2: {  	v3 =	vadd.s32 v1, v3;
	s18 =	simm.s32 $0xB080  }
0xc3: {  	[tilespmem:s18], [sflag:$0x2] =	stream.indirect_vreg.gather [hbm4b:s10+s3], $0x80, v4, vm0, $0xb8;
	[tilespmem:$0x12100] =	vst v63  }
0xc4: {  	s17 =	simm.s32 $0xB880  }
0xc5: {  	[tilespmem:s17], [sflag:$0x2] =	stream.indirect_vreg.gather [hbm4b:s11+s3], $0x80, v4, vm0, $0xb8;
	[tilespmem:$0x12100] =	vst v63  }
0xc6: {  	s18 =	simm.s32 $0xC080  }
0xc7: {  	[tilespmem:s18], [sflag:$0x2] =	stream.indirect_vreg.gather [hbm4b:s30+s3], $0x80, v3, vm0, $0xb8;
	[tilespmem:$0x12100] =	vst v63  }
0xc8: {  	s17 =	simm.s32 $0xC880  }
0xc9: {  	[tilespmem:s17], [sflag:$0x2] =	stream.indirect_vreg.gather [hbm4b:s4+s3], $0x80, v3, vm0, $0xb8;
	[tilespmem:$0x12100] =	vst v63  }
0xca: {  	s18 =	simm.s32 $0xD080  }
0xcb: {  	[tilespmem:s18], [sflag:$0x2] =	stream.indirect_vreg.gather [hbm4b:s5+s3], $0x80, v3, vm0, $0xb8;
	[tilespmem:$0x12100] =	vst v63  }
0xcc: {  	s30 =	simm.s32 $0xD880  }
0xcd: {  	[tilespmem:s30], [sflag:$0x2] =	stream.indirect_vreg.gather [hbm4b:s6+s3], $0x80, v3, vm0, $0xb8;
	[tilespmem:$0x12100] =	vst v63  }
0xce: {  	s17 =	simm.s32 $0xE080  }
0xcf: {  	[tilespmem:s17], [sflag:$0x2] =	stream.indirect_vreg.gather [hbm4b:s8+s3], $0x80, v3, vm0, $0xb8;
	[tilespmem:$0x12100] =	vst v63  }
0xd0: {  	s18 =	simm.s32 $0xE880  }
0xd1: {  	[tilespmem:s18], [sflag:$0x2] =	stream.indirect_vreg.gather [hbm4b:s9+s3], $0x80, v3, vm0, $0xb8;
	[tilespmem:$0x12100] =	vst v63  }
0xd2: {  	s30 =	simm.s32 $0xF080  }
0xd3: {  	[tilespmem:s30], [sflag:$0x2] =	stream.indirect_vreg.gather [hbm4b:s10+s3], $0x80, v3, vm0, $0xb8;
	[tilespmem:$0x12100] =	vst v63  }
0xd4: {  	s17 =	simm.s32 $0xF880  }
0xd5: {  	[tilespmem:s17], [sflag:$0x2] =	stream.indirect_vreg.gather [hbm4b:s11+s3], $0x80, v3, vm0, $0xb8;
	[tilespmem:$0x12100] =	vst v63  }
0xd6: {  	_ =	swait.ge [sflag:s0], $0x8000  }
0xd7: {  	[sflag:s0] =	ssyncset.done $0x0  }
0xd8: {  	s18 =	rddreg [dreg:$0xa];
	[sflag:s0] =	ssyncadd.s32 $0xFFFF8000  }
0xd9: {  	[hbm4b:s18+s3] =	stream.linear.scatter [tilespmem:s16], [sflag:$0x3], $0x8000, $0x38;
	[tilespmem:$0x12100] =	vst v63  }
0xda: {  	_ =	swait.ge [sflag:s2], $0x8000  }
0xdb: {  	[sflag:s2] =	ssyncset.done $0x0  }
0xdc: {  	s30 =	rddreg [dreg:$0xb];
	[sflag:s2] =	ssyncadd.s32 $0xFFFF8000  }
0xdd: {  	[hbm4b:s30+s3] =	stream.linear.scatter [tilespmem:s31], [sflag:$0x4], $0x8000, $0x38;
	[tilespmem:$0x12100] =	vst v63  }
0xde: {  	p0 =	sne.s32 s12, $0x1;
	_ =	swait.ge [sflag:s1], $0x8000  }
.Ltmp0:
0xdf: {  	[sflag:s1] =	ssyncset.done $0x0;
	(pc) =	sbr.rel @p0 .LBB2_1-.Ltmp0, $4  }
0xe0: {  	[sflag:s1] =	ssyncadd.s32 $0xFFFF8000  }
0xe1: {  	_ =	swait.ge [sflag:s7], $0x8000  }
0xe2: {  	[sflag:s7] =	ssyncset.done $0x0  }
0xe3: {  	s12 =	sadd.s32 $0xFFFFFFFF, s12;
	[sflag:s7] =	ssyncadd.s32 $0xFFFF8000  }
0xe4: {  	_ =	sfence.sel $0x180000  }
0xe5: {  	[bflag:$0x0] =	sbarrier.arrive $0xFFFF  }
0xe6: {  	_ =	strace $0x90000047  }
0xe7: {  	s0 =	stileid.u32;
	[bflag:$0x2] =	sbarrier.arrive $0xFFFF  }
0xe8: {  	p0 =	sne.s32 s0, $0x0;
	s0 =	rddreg [dreg:$0x5]  }
0xe9: {  	s0 =	sadd.s32 @!p0 $0x100000, s0  }
0xea: {  	[sflag:s0] =	ssyncadd.tile.s32 @!p0 $0x1;
	_ =	shalt  }
.Lfunc_end2:
_tile_overlayer_lowered:
.L_overlay_start_2:
0xeb: {  	(tag) =	ssettag $0x2  }
0xec: {  	s0 =	rddreg [dreg:$0x0];
	s2 =	stileid.u32  }
0xed: {  	s1 =	rddreg [dreg:$0x1];
	p0 =	sne.s32 s2, $0x0  }
0xee: {  	s3 =	rddreg [dreg:$0x2];
	[bflag:$0x3] =	sbarrier.arrive $0xFFFF;
	s2 =	simm.s32 @!p0 $0x1C05  }
0xef: {  	[timem:s3], [sflag:s2] =	dma.local @!p0 [hbm:s0], s1  }
0xf0: {  	s0 =	simm.s32 @!p0 $0x5  }
0xf1: {  	_ =	swait.ge @!p0 [sflag:s0], s1  }
0xf2: {  	s1 =	ssub.s32 @!p0 $0x0, s1;
	[sflag:s0] =	ssyncset.done @!p0 $0x0  }
0xf3: {  	[sflag:s0] =	ssyncadd.s32 @!p0 s1  }
0xf4: {  	[bflag:$0x3] =	sbarrier.arrive $0xFFFF  }
0xf5: {  	_ =	shalt  }

// kernel: kernel.9.cloned.1.call-start
scs
__scs_entry_jumppad:
0x0: {  	(pc) =	sbr.rel $0x88, $3  }
0x1: {  	(tag) =	ssettag $0x0;
	lr =	simm.s32 $0x1  }
0x2: {  	[smem:$0x3F9B] =	sst lr;
	_ =	strace $0xD0000000  }
0x3: {  	_ = 	snop  }
0x4: {  	_ = 	snop  }
0x5: {  	_ = 	snop  }
0x6: {  	_ = 	snop  }
0x7: {  	_ = 	snop  }
__scs_overlays_trampoline_lowered:
0x8: {  	[smem:$0x3FAA] =	sst s0  }
0x9: {  	[smem:$0x3FAB] =	sst s1  }
0xa: {  	[smem:$0x3FAC] =	sst s2  }
0xb: {  	[smem:$0x3FAD] =	sst s3  }
0xc: {  	[smem:$0x3FAE] =	sst s4  }
0xd: {  	[smem:$0x3FAF] =	sst s5  }
0xe: {  	[smem:$0x3FB0] =	sst s6  }
0xf: {  	[smem:$0x3FB1] =	sst s7  }
0x10: {  	[smem:$0x3FB2] =	sst s8  }
0x11: {  	[smem:$0x3FB3] =	sst s9;
	s0 =	simm.s32 @!p0 $0x0  }
0x12: {  	s1 =	sld [smem:$0x3F99];
	s0 =	simm.s32 @p0 $0x1  }
0x13: {  	[smem:$0x3FB4] =	sst s0;
	s0 =	simm.s32 @!p1 $0x0  }
0x14: {  	s2 =	sld [smem:$0x3F98];
	s0 =	simm.s32 @p1 $0x1  }
0x15: {  	[smem:$0x3FB5] =	sst s0;
	s0 =	simm.s32 @!p2 $0x0  }
0x16: {  	s3 =	sld [smem:$0x3FDB];
	s0 =	simm.s32 @p2 $0x1  }
0x17: {  	s4 =	simm.s32 $0x1BF5;
	[smem:$0x3FB7] =	sst s0  }
0x18: {  	s0 =	sld [smem:$0x3F9A];
	_ =	swait.ge [sflag:s4], $0x0  }
0x19: {  	s7 =	sld [smem:$0x3F9B]  }
0x1a: {  	s8 =	sadd.s32 $0xFFFFE003, lr  }
0x1b: {  	s9 =	sadd.s32 $0xFFFFFEF7, lr;
	s5 =	simm.s32 $0xFFFFFFFF;
	p2 =	slt.u32 s8, $0xFFFFF086  }
0x1c: {  	p1 =	slt.u32 s9, $0xF7A;
	s5 =	simm.s32 @!p2 $0x0  }
0x1d: {  	s5 =	simm.s32 @p1 $0x1;
	p0 =	seq.s32 s7, s2  }
0x1e: {  	s7 =	smul.u32 @!p0 $0xF7A, s2;
	p2 =	seq.s32 @!p0 s5, $0x0  }
0x1f: {  	s9 =	smul.u32 $0xF7A, s1;
	s8 =	simm.s32 @!p0 $0x1BF5;
	p2 =	por !p2, p0  }
0x20: {  	[sflag:s8] =	ssyncset.s32 @!p0 $0xFFFFF086;
	s6 =	sadd.s32 @!p0 s3, s7;
	s7 =	simm.s32 @!p0 $0x108  }
0x21: {  	s3 =	sadd.s32 s3, s9;
	s6 =	sadd.s32 @!p0 $0x88, s6;
	s7 =	simm.s32 @p2 $0x1082  }
0x22: {  	[simem:s7], [sflag:s8] =	dma.local @!p0 [hbm:s6], $0xF7A  }
0x23: {  	s9 =	sor.u32 $0xD0000000, s2;
	s6 =	simm.s32 $0x108;
	_ =	swait.ge @!p0 [sflag:s8], $0x0  }
0x24: {  	s3 =	sadd.s32 $0x88, s3;
	s6 =	simm.s32 @!p1 $0x1082;
	[sflag:s4] =	ssyncset.s32 $0xFFFFF086  }
0x25: {  	[simem:s6], [sflag:s4] =	dma.local [hbm:s3], $0xF7A  }
0x26: {  	[smem:$0x3F9B] =	sst s1;
	(tag) =	ssettag s2;
	_ =	strace s9  }
0x27: {  	s1 =	sld [smem:$0x3FAB]  }
0x28: {  	s2 =	sld [smem:$0x3FAC]  }
0x29: {  	s4 =	sld [smem:$0x3FAE]  }
0x2a: {  	p0 =	seq.s32 s5, $0x0;
	s5 =	sld [smem:$0x3FAF]  }
0x2b: {  	s6 =	sld [smem:$0x3FB0]  }
0x2c: {  	s7 =	sld [smem:$0x3FB1]  }
0x2d: {  	s3 =	simm.s32 $0x108;
	s8 =	sld [smem:$0x3FB2]  }
0x2e: {  	s3 =	simm.s32 @!p0 $0x1082;
	s9 =	sld [smem:$0x3FB3]  }
0x2f: {  	lr =	sadd.s32 s0, s3;
	s0 =	sld [smem:$0x3FAA]  }
0x30: {  	s3 =	sld [smem:$0x3FAD]  }
0x31: {  	[smem:$0x3FB6] =	sst s10  }
0x32: {  	s10 =	sld [smem:$0x3FB4];
	_ =	sdelay $0x3  }
0x33: {  	p0 =	seq.s32 s10, $0x1;
	s10 =	sld [smem:$0x3FB6];
	_ =	sdelay $0x3  }
0x34: {  	[smem:$0x3FB6] =	sst s10  }
0x35: {  	s10 =	sld [smem:$0x3FB5];
	_ =	sdelay $0x3  }
0x36: {  	p1 =	seq.s32 s10, $0x1;
	s10 =	sld [smem:$0x3FB6];
	_ =	sdelay $0x3  }
0x37: {  	[smem:$0x3FB6] =	sst s10  }
0x38: {  	s10 =	sld [smem:$0x3FB7]  }
0x39: {  	_ = 	snop;
	(pc) =	sbr.ind lr, $3  }
0x3a: {  	_ = 	snop  }
0x3b: {  	_ = 	snop  }
0x3c: {  	p2 =	seq.s32 s10, $0x1;
	s10 =	sld [smem:$0x3FB6]  }
0x3d: {  	_ =	shalt  }
0x3e: {  	_ =	shalt  }
0x3f: {  	_ =	shalt  }
0x40: {  	_ =	shalt  }
0x41: {  	_ =	shalt  }
0x42: {  	_ =	shalt  }
0x43: {  	_ =	shalt  }
0x44: {  	_ =	shalt  }
0x45: {  	_ =	shalt  }
0x46: {  	_ =	shalt  }
0x47: {  	_ =	shalt  }
0x48: {  	_ =	shalt  }
0x49: {  	_ =	shalt  }
0x4a: {  	_ =	shalt  }
0x4b: {  	_ =	shalt  }
0x4c: {  	_ =	shalt  }
0x4d: {  	_ =	shalt  }
0x4e: {  	_ =	shalt  }
0x4f: {  	_ =	shalt  }
0x50: {  	_ =	shalt  }
0x51: {  	_ =	shalt  }
0x52: {  	_ =	shalt  }
0x53: {  	_ =	shalt  }
0x54: {  	_ =	shalt  }
0x55: {  	_ =	shalt  }
0x56: {  	_ =	shalt  }
0x57: {  	_ =	shalt  }
0x58: {  	_ =	shalt  }
0x59: {  	_ =	shalt  }
0x5a: {  	_ =	shalt  }
0x5b: {  	_ =	shalt  }
0x5c: {  	_ =	shalt  }
0x5d: {  	_ =	shalt  }
0x5e: {  	_ =	shalt  }
0x5f: {  	_ =	shalt  }
0x60: {  	_ =	shalt  }
0x61: {  	_ =	shalt  }
0x62: {  	_ =	shalt  }
0x63: {  	_ =	shalt  }
0x64: {  	_ =	shalt  }
0x65: {  	_ =	shalt  }
0x66: {  	_ =	shalt  }
0x67: {  	_ =	shalt  }
0x68: {  	_ =	shalt  }
0x69: {  	_ =	shalt  }
0x6a: {  	_ =	shalt  }
0x6b: {  	_ =	shalt  }
0x6c: {  	_ =	shalt  }
0x6d: {  	_ =	shalt  }
0x6e: {  	_ =	shalt  }
0x6f: {  	_ =	shalt  }
0x70: {  	_ =	shalt  }
0x71: {  	_ =	shalt  }
0x72: {  	_ =	shalt  }
0x73: {  	_ =	shalt  }
0x74: {  	_ =	shalt  }
0x75: {  	_ =	shalt  }
0x76: {  	_ =	shalt  }
0x77: {  	_ =	shalt  }
0x78: {  	_ =	shalt  }
0x79: {  	_ =	shalt  }
0x7a: {  	_ =	shalt  }
0x7b: {  	_ =	shalt  }
0x7c: {  	_ =	shalt  }
0x7d: {  	_ =	shalt  }
0x7e: {  	_ =	shalt  }
0x7f: {  	_ =	shalt  }
0x80: {  	_ =	shalt  }
0x81: {  	_ =	shalt  }
0x82: {  	_ =	shalt  }
0x83: {  	_ =	shalt  }
0x84: {  	_ =	shalt  }
0x85: {  	_ =	shalt  }
0x86: {  	_ =	shalt  }
0x87: {  	_ =	shalt  }
.Lfunc_end0:
.L_simem_size_0:
called_computation.1_lowered:
.L_overlay_start_0:
0x88: {  	s2 =	sld [smem:$0x3FD9]  }
0x89: {  	s3 =	sld [smem:$0x3FFE];
	_ =	sdelay $0x1  }
0x8a: {  	s1 =	srdreg.scid  }
0x8b: {  	s0 =	sand.u32 $0x1, s1  }
0x8c: {  	s17 =	sshll.u32 s0, $0xA;
	s2 =	sadd.s32 s3, s2  }
0x8d: {  	s2 =	sadd.s32 s2, s17  }
0x8e: {  	[smem:$0x3FC2] =	sst s2  }
0x8f: {  	_ = 	snop  }
0x90: {  	s18 =	sld [smem:$0x3FC8]  }
0x91: {  	s4 =	sld [smem:$0x3FC5];
	(tm) =	ssettm $0x1  }
0x92: {  	s19 =	sld [smem:$0x3FFB];
	_ =	sdelay $0x3  }
0x93: {  	_ =	strace s19  }
0x94: {  	s2 =	sld [smem:$0x3FFC];
	_ =	sdelay $0x3  }
0x95: {  	_ =	strace s2  }
0x96: {  	s2 =	sld [smem:$0x3FFD];
	_ =	sdelay $0x3  }
0x97: {  	_ =	strace s2  }
0x98: {  	_ =	strace $0x8FFFFFFF  }
0x99: {  	s20 =	sld [smem:$0x3FDB];
	_ =	sdelay $0x1  }
0x9a: {  	s5 =	simm.s32 $_scs_section_size  }
0x9b: {  	s6 =	simm.s32 $_size__tile_overlayer_lowered;
	s7 =	simm.s32 $_tile_overlayer_lowered  }
0x9c: {  	s8 =	simm.s32 $0x1BFF;
	s21 =	sshll.u32 s7, $0x1;
	s5 =	sadd.s32 s5, s20  }
0x9d: {  	s22 =	simm.s32 $0x0;
	s6 =	sshll.u32 s6, $0x1;
	s7 =	sadd.s32 s21, s5  }
0x9e: {  	[timem:s22], [sflag:s8] =	dma.local [hbm:s7], s6  }
0x9f: {  	_ =	swait.ge [sflag:s8], s6  }
0xa0: {  	s6 =	ssub.s32 $0x0, s6;
	[sflag:s8] =	ssyncset.done $0x0  }
0xa1: {  	[sflag:s8] =	ssyncadd.s32 s6;
	_ =	sdelay $0x1  }
0xa2: {  	s23 =	simm.s32 $0x1B8B  }
0xa3: {  	_ =	swait.ge [sflag:s23], $0x1  }
0xa4: {  	[sflag:s23] =	ssyncset.done $0x0  }
0xa5: {  	[sflag:s23] =	ssyncadd.s32 $0xFFFFFFFF  }
0xa6: {  	s6 =	sld [smem:$0x0]  }
0xa7: {  	s7 =	sand.u32 $0xFFFFFFFE, s1  }
0xa8: {  	p0 =	sne.s32 s1, s7  }
0xa9: {  	s7 =	sshll.u32 @p0 s7, $0xE  }
0xaa: {  	s7 =	sadd.s32 @p0 $0x11B8D, s7;
	s8 =	sshll.u32 @p0 s6, $0x11  }
0xab: {  	s7 =	sor.u32 @p0 s8, s7  }
0xac: {  	[sflag:s7] =	ssyncadd.remote.s32 @p0 $0x1;
	_ =	sdelay $0x1  }
0xad: {  	s7 =	simm.s32 @p0 $0x1B8D  }
0xae: {  	_ =	swait.eq @p0 [sflag:s7], $0x1  }
0xaf: {  	[sflag:s7] =	ssyncadd.s32 @p0 $0xFFFFFFFF  }
0xb0: {  	s8 =	sshll.u32 @!p0 s1, $0xE  }
0xb1: {  	s8 =	sor.u32 @!p0 $0x4000, s8;
	s7 =	simm.s32 @!p0 $0x1B8D  }
0xb2: {  	s6 =	sshll.u32 @!p0 s6, $0x11;
	s8 =	sadd.s32 @!p0 $0x11B8D, s8;
	_ =	swait.eq @!p0 [sflag:s7], $0x1  }
0xb3: {  	s6 =	sor.u32 @!p0 s6, s8;
	[sflag:s7] =	ssyncadd.s32 @!p0 $0xFFFFFFFF  }
0xb4: {  	s25 =	simm.s32 $0x1B8E;
	s24 =	sld [smem:$0x3FFE];
	[sflag:s6] =	ssyncadd.remote.s32 @!p0 $0x1  }
0xb5: {  	s26 =	simm.s32 $execute0_lowered;
	[smem:$0x3FD2] =	sst s25  }
0xb6: {  	s7 =	sshll.u32 s26, $0x1;
	_ =	strace $0x80000049;
	[dreg:$0x1] =	wrdreg $0xFFFFFFFF  }
0xb7: {  	s28 =	simm.s32 $_size_execute0_lowered;
	s5 =	sadd.s32 s5, s7;
	[dreg:$0x0] =	wrdreg $0x0  }
0xb8: {  	s7 =	sshll.u32 s28, $0x1;
	[dreg:$0x2] =	wrdreg s5  }
0xb9: {  	[dreg:$0x3] =	wrdreg s7  }
0xba: {  	[dreg:$0x4] =	wrdreg $0xC0  }
0xbb: {  	_ =	task [dreg:s22], $0x5FFFF  }
0xbc: {  	[dreg:$0x1] =	wrdreg $0xFFFFFFFF  }
0xbd: {  	[dreg:$0x0] =	wrdreg $0x60  }
0xbe: {  	[dreg:$0x2] =	wrdreg s4  }
0xbf: {  	[dreg:$0x3] =	wrdreg s18  }
0xc0: {  	[dreg:$0x4] =	wrdreg s24  }
0xc1: {  	[dreg:$0x5] =	wrdreg $0xA  }
0xc2: {  	_ =	task.clear_ibuf [dreg:s22], $0x6FFFF;
	_ =	strace $0x90000049  }
0xc3: {  	s29 =	simm.s32 $0xA;
	_ =	strace $0x8000004B  }
0xc4: {  	_ =	swait.ge [sflag:s29], $0x1  }
0xc5: {  	[sflag:s29] =	ssyncadd.s32 $0xFFFFFFFF  }
0xc6: {  	_ =	strace $0x9000004B  }
0xc7: {  	_ =	sfence  }
0xc8: {  	s30 =	sld [smem:$0x0];
	_ =	sdelay $0x2  }
0xc9: {  	s31 =	sshll.u32 s1, $0xD;
	s1 =	sshrl.u32 s1, $0x2  }
0xca: {  	s4 =	sand.u32 $0x4000, s31;
	s1 =	sadd.s32 s1, s30  }
0xcb: {  	s0 =	sor.u32 s4, s0;
	s1 =	sshll.u32 s1, $0x11  }
0xcc: {  	s0 =	sor.u32 s1, s0  }
0xcd: {  	s0 =	sadd.s32 $0x8F2B, s0  }
0xce: {  	[sflag:s0] =	ssyncadd.remote.s32 $0x1  }
0xcf: {  	_ =	sfence.sel $0xFFFF  }
0xd0: {  	[dreg:$0x0] =	wrdreg $0xFFFFFFFF;
	(pc) =	sbr.abs _section_cstart, $3  }
0xd1: {  	[dreg:$0x1] =	wrdreg $0xFFFFFFFF  }
0xd2: {  	_ =	task.clear_ibuf [dreg:s22], $0x2FFFF;
	_ =	strace $0x9FFFFFFF  }
0xd3: {  	(tm) =	ssettm $0x7FFFFFFF  }
tec
execute0_lowered:
.L_overlay_start_1:
0x0: {  	(tag) =	ssettag $0x1  }
0x1: {  	s1 =	rddreg [dreg:$0x0]  }
0x2: {  	s0 =	rddreg [dreg:$0x1]  }
0x3: {  	s2 =	rddreg [dreg:$0x2];
	s4 =	srdreg.scid  }
0x4: {  	s3 =	simm.s32 $0x0;
	s5 =	stileid.u32;
	s31 =	simm.s32 $0x4  }
0x5: {  	s30 =	simm.s32 $0x80;
	s14 =	simm.s32 $0x1080;
	s15 =	simm.s32 $0x1880  }
0x6: {  	s16 =	simm.s32 $0x2080;
	s17 =	simm.s32 $0x2880;
	s18 =	simm.s32 $0x3080  }
0x7: {  	s19 =	simm.s32 $0x3880;
	s20 =	simm.s32 $0x4080;
	s21 =	simm.s32 $0x4880  }
0x8: {  	s22 =	simm.s32 $0x5080;
	s12 =	simm.s32 $0x7080;
	s13 =	simm.s32 $0x7880  }
0x9: {  	s28 =	simm.s32 $0x1;
	s29 =	simm.s32 $0x3;
	s4 =	sand.u32 $0x1, s4  }
0xa: {  	[smem:$0x7FF] =	sst s3;
	s5 =	sshll.u32 s5, $0x7;
	s8 =	sadd.s32 $0x500, s1  }
0xb: {  	s9 =	sadd.s32 $0x600, s1;
	s10 =	sadd.s32 $0x700, s1;
	s6 =	sshll.u32 s4, $0x6  }
0xc: {  	_ =	strace $0x8000004A;
	s4 =	ssub.s32 $0x2, s4;
	s5 =	sor.u32 s6, s5  }
0xd: {  	s7 =	sshrl.u32 s4, $0x1;
	s6 =	sshll.u32 s5, $0x8;
	s5 =	sshrl.u32 s5, $0x3  }
0xe: {  	s11 =	ssub.s32 s4, s7;
	s2 =	sadd.s32 s6, s2;
	s0 =	sadd.s32 s0, s5  }
0xf: {  	s4 =	sadd.s32 $0x100, s1;
	[dreg:$0x4] =	wrdreg s0;
	s23 =	sadd.s32 $0xE00, s2  }
0x10: {  	s7 =	sadd.s32 $0x400, s1;
	s24 =	sadd.s32 $0x1E00, s2;
	[dreg:$0x5] =	wrdreg s23  }
0x11: {  	s5 =	sadd.s32 $0x200, s1;
	s25 =	sadd.s32 $0x2E00, s2;
	[dreg:$0x6] =	wrdreg s24  }
0x12: {  	v2 =	vlaneseq.u32;
	s6 =	sadd.s32 $0x300, s1;
	s26 =	sadd.s32 $0x3E00, s2;
	[dreg:$0x7] =	wrdreg s25  }
0x13: {  	vm0 =	vmmov $0xffff;
	v1 =	vshrl.u32 v2, $0x3;
	s11 =	smax.u32 s11, $0x1;
	s1 =	simm.s32 $0x8080;
	[dreg:$0x8] =	wrdreg s26  }
0x14: {  	v0 =	vand.u32 $0x7, v2;
	v2 =	vor.u32 $0x8, v2;
	v1 =	vmul.u32 $0x8, v1;
	s23 =	simm.s32 $0x5880;
	s24 =	simm.s32 $0x6080;
	s25 =	simm.s32 $0x6880  }
.LBB2_1:
0x15: {  	s0 =	rddreg [dreg:$0x4];
	s2 =	simm.s32 $0x5  }
0x16: {  	[tilespmem:s3], [sflag:$0x5] =	stream.linear.gather [hbm4b:s0+s3], $0x40, $0x38;
	[tilespmem:$0x10080] =	vst v63  }
0x17: {  	_ =	swait.ge [sflag:s2], $0x40  }
0x18: {  	[sflag:s2] =	ssyncset.done $0x0  }
0x19: {  	[sflag:s2] =	ssyncadd.s32 $0xFFFFFFC0  }
0x1a: {  	v3 =	vld [tilespmem:$0x0];
	_ =	sdelay $0x4  }
0x1b: {  	v4 =	vshll.u32 v3, $0x4  }
0x1c: {  	v3 =	vand.u32 $0x7, v3;
	v4 =	vand.u32 $0xFFFFFF80, v4  }
0x1d: {  	v3 =	vor.u32 v3, v4  }
0x1e: {  	v4 =	vperm.xlane v3, v0;
	_ =	sdelay $0x1  }
0x1f: {  	v4 =	vadd.s32 v1, v4;
	_ =	sdelay $0x3  }
0x20: {  	s26 =	rddreg [dreg:$0x0]  }
0x21: {  	[tilespmem:s30], [sflag:$0x1] =	stream.indirect_vreg.gather [hbm4b:s26+s3], $0x80, v4, vm0, $0xb8;
	[tilespmem:$0x10080] =	vst v63  }
0x22: {  	s2 =	simm.s32 $0x880  }
0x23: {  	[tilespmem:s2], [sflag:$0x1] =	stream.indirect_vreg.gather [hbm4b:s4+s3], $0x80, v4, vm0, $0xb8;
	[tilespmem:$0x10080] =	vst v63  }
0x24: {  	_ = 	snop  }
0x25: {  	[tilespmem:s14], [sflag:$0x1] =	stream.indirect_vreg.gather [hbm4b:s5+s3], $0x80, v4, vm0, $0xb8;
	[tilespmem:$0x10080] =	vst v63  }
0x26: {  	_ = 	snop  }
0x27: {  	[tilespmem:s15], [sflag:$0x1] =	stream.indirect_vreg.gather [hbm4b:s6+s3], $0x80, v4, vm0, $0xb8;
	[tilespmem:$0x10080] =	vst v63  }
0x28: {  	_ = 	snop  }
0x29: {  	[tilespmem:s16], [sflag:$0x1] =	stream.indirect_vreg.gather [hbm4b:s7+s3], $0x80, v4, vm0, $0xb8;
	[tilespmem:$0x10080] =	vst v63  }
0x2a: {  	v3 =	vperm.xlane v3, v2  }
0x2b: {  	[tilespmem:s17], [sflag:$0x1] =	stream.indirect_vreg.gather [hbm4b:s8+s3], $0x80, v4, vm0, $0xb8;
	[tilespmem:$0x10080] =	vst v63  }
0x2c: {  	v3 =	vadd.s32 v1, v3  }
0x2d: {  	[tilespmem:s18], [sflag:$0x1] =	stream.indirect_vreg.gather [hbm4b:s9+s3], $0x80, v4, vm0, $0xb8;
	[tilespmem:$0x10080] =	vst v63  }
0x2e: {  	_ = 	snop  }
0x2f: {  	[tilespmem:s19], [sflag:$0x1] =	stream.indirect_vreg.gather [hbm4b:s10+s3], $0x80, v4, vm0, $0xb8;
	[tilespmem:$0x10080] =	vst v63  }
0x30: {  	_ = 	snop  }
0x31: {  	[tilespmem:s20], [sflag:$0x1] =	stream.indirect_vreg.gather [hbm4b:s26+s3], $0x80, v3, vm0, $0xb8;
	[tilespmem:$0x10080] =	vst v63  }
0x32: {  	_ = 	snop  }
0x33: {  	[tilespmem:s21], [sflag:$0x1] =	stream.indirect_vreg.gather [hbm4b:s4+s3], $0x80, v3, vm0, $0xb8;
	[tilespmem:$0x10080] =	vst v63  }
0x34: {  	_ = 	snop  }
0x35: {  	[tilespmem:s22], [sflag:$0x1] =	stream.indirect_vreg.gather [hbm4b:s5+s3], $0x80, v3, vm0, $0xb8;
	[tilespmem:$0x10080] =	vst v63  }
0x36: {  	_ = 	snop  }
0x37: {  	[tilespmem:s23], [sflag:$0x1] =	stream.indirect_vreg.gather [hbm4b:s6+s3], $0x80, v3, vm0, $0xb8;
	[tilespmem:$0x10080] =	vst v63  }
0x38: {  	_ = 	snop  }
0x39: {  	[tilespmem:s24], [sflag:$0x1] =	stream.indirect_vreg.gather [hbm4b:s7+s3], $0x80, v3, vm0, $0xb8;
	[tilespmem:$0x10080] =	vst v63  }
0x3a: {  	_ = 	snop  }
0x3b: {  	[tilespmem:s25], [sflag:$0x1] =	stream.indirect_vreg.gather [hbm4b:s8+s3], $0x80, v3, vm0, $0xb8;
	[tilespmem:$0x10080] =	vst v63  }
0x3c: {  	_ = 	snop  }
0x3d: {  	[tilespmem:s12], [sflag:$0x1] =	stream.indirect_vreg.gather [hbm4b:s9+s3], $0x80, v3, vm0, $0xb8;
	[tilespmem:$0x10080] =	vst v63  }
0x3e: {  	_ = 	snop  }
0x3f: {  	[tilespmem:s13], [sflag:$0x1] =	stream.indirect_vreg.gather [hbm4b:s10+s3], $0x80, v3, vm0, $0xb8;
	[tilespmem:$0x10080] =	vst v63  }
0x40: {  	v3 =	vld [tilespmem:$0x10];
	_ =	sdelay $0x4  }
0x41: {  	v61 =	vshll.u32 v3, $0x4  }
0x42: {  	v3 =	vand.u32 $0x7, v3;
	v4 =	vand.u32 $0xFFFFFF80, v61  }
0x43: {  	v3 =	vor.u32 v3, v4  }
0x44: {  	v4 =	vperm.xlane v3, v0;
	_ =	sdelay $0x1  }
0x45: {  	v4 =	vadd.s32 v1, v4;
	_ =	sdelay $0x4  }
0x46: {  	[tilespmem:s1], [sflag:$0x2] =	stream.indirect_vreg.gather [hbm4b:s26+s3], $0x80, v4, vm0, $0xb8;
	[tilespmem:$0x10080] =	vst v63  }
0x47: {  	s0 =	simm.s32 $0x8880  }
0x48: {  	[tilespmem:s0], [sflag:$0x2] =	stream.indirect_vreg.gather [hbm4b:s4+s3], $0x80, v4, vm0, $0xb8;
	[tilespmem:$0x10080] =	vst v63  }
0x49: {  	s0 =	simm.s32 $0x9080  }
0x4a: {  	[tilespmem:s0], [sflag:$0x2] =	stream.indirect_vreg.gather [hbm4b:s5+s3], $0x80, v4, vm0, $0xb8;
	[tilespmem:$0x10080] =	vst v63  }
0x4b: {  	s0 =	simm.s32 $0x9880  }
0x4c: {  	[tilespmem:s0], [sflag:$0x2] =	stream.indirect_vreg.gather [hbm4b:s6+s3], $0x80, v4, vm0, $0xb8;
	[tilespmem:$0x10080] =	vst v63  }
0x4d: {  	s0 =	simm.s32 $0xA080  }
0x4e: {  	[tilespmem:s0], [sflag:$0x2] =	stream.indirect_vreg.gather [hbm4b:s7+s3], $0x80, v4, vm0, $0xb8;
	[tilespmem:$0x10080] =	vst v63  }
0x4f: {  	v3 =	vperm.xlane v3, v2;
	s0 =	simm.s32 $0xA880  }
0x50: {  	[tilespmem:s0], [sflag:$0x2] =	stream.indirect_vreg.gather [hbm4b:s8+s3], $0x80, v4, vm0, $0xb8;
	[tilespmem:$0x10080] =	vst v63  }
0x51: {  	v3 =	vadd.s32 v1, v3;
	s0 =	simm.s32 $0xB080  }
0x52: {  	[tilespmem:s0], [sflag:$0x2] =	stream.indirect_vreg.gather [hbm4b:s9+s3], $0x80, v4, vm0, $0xb8;
	[tilespmem:$0x10080] =	vst v63  }
0x53: {  	s0 =	simm.s32 $0xB880  }
0x54: {  	[tilespmem:s0], [sflag:$0x2] =	stream.indirect_vreg.gather [hbm4b:s10+s3], $0x80, v4, vm0, $0xb8;
	[tilespmem:$0x10080] =	vst v63  }
0x55: {  	s0 =	simm.s32 $0xC080  }
0x56: {  	[tilespmem:s0], [sflag:$0x2] =	stream.indirect_vreg.gather [hbm4b:s26+s3], $0x80, v3, vm0, $0xb8;
	[tilespmem:$0x10080] =	vst v63  }
0x57: {  	s0 =	simm.s32 $0xC880  }
0x58: {  	[tilespmem:s0], [sflag:$0x2] =	stream.indirect_vreg.gather [hbm4b:s4+s3], $0x80, v3, vm0, $0xb8;
	[tilespmem:$0x10080] =	vst v63  }
0x59: {  	s0 =	simm.s32 $0xD080  }
0x5a: {  	[tilespmem:s0], [sflag:$0x2] =	stream.indirect_vreg.gather [hbm4b:s5+s3], $0x80, v3, vm0, $0xb8;
	[tilespmem:$0x10080] =	vst v63  }
0x5b: {  	s0 =	simm.s32 $0xD880  }
0x5c: {  	[tilespmem:s0], [sflag:$0x2] =	stream.indirect_vreg.gather [hbm4b:s6+s3], $0x80, v3, vm0, $0xb8;
	[tilespmem:$0x10080] =	vst v63  }
0x5d: {  	s0 =	simm.s32 $0xE080  }
0x5e: {  	[tilespmem:s0], [sflag:$0x2] =	stream.indirect_vreg.gather [hbm4b:s7+s3], $0x80, v3, vm0, $0xb8;
	[tilespmem:$0x10080] =	vst v63  }
0x5f: {  	s0 =	simm.s32 $0xE880  }
0x60: {  	[tilespmem:s0], [sflag:$0x2] =	stream.indirect_vreg.gather [hbm4b:s8+s3], $0x80, v3, vm0, $0xb8;
	[tilespmem:$0x10080] =	vst v63  }
0x61: {  	s0 =	simm.s32 $0xF080  }
0x62: {  	[tilespmem:s0], [sflag:$0x2] =	stream.indirect_vreg.gather [hbm4b:s9+s3], $0x80, v3, vm0, $0xb8;
	[tilespmem:$0x10080] =	vst v63  }
0x63: {  	s0 =	simm.s32 $0xF880  }
0x64: {  	[tilespmem:s0], [sflag:$0x2] =	stream.indirect_vreg.gather [hbm4b:s10+s3], $0x80, v3, vm0, $0xb8;
	[tilespmem:$0x10080] =	vst v63  }
0x65: {  	_ =	swait.ge [sflag:s28], $0x8000  }
0x66: {  	[sflag:s28] =	ssyncset.done $0x0  }
0x67: {  	s0 =	rddreg [dreg:$0x5];
	[sflag:s28] =	ssyncadd.s32 $0xFFFF8000  }
0x68: {  	[hbm4b:s0+s3] =	stream.linear.scatter [tilespmem:s30], [sflag:$0x3], $0x8000, $0x38;
	[tilespmem:$0x10080] =	vst v63  }
0x69: {  	_ =	swait.ge [sflag:s29], $0x8000  }
0x6a: {  	[sflag:s29] =	ssyncset.done $0x0  }
0x6b: {  	[sflag:s29] =	ssyncadd.s32 $0xFFFF8000  }
0x6c: {  	v3 =	vld [tilespmem:$0x20];
	_ =	sdelay $0x4  }
0x6d: {  	v62 =	vshll.u32 v3, $0x4  }
0x6e: {  	v3 =	vand.u32 $0x7, v3;
	v4 =	vand.u32 $0xFFFFFF80, v62  }
0x6f: {  	v3 =	vor.u32 v3, v4  }
0x70: {  	v4 =	vperm.xlane v3, v0;
	_ =	sdelay $0x1  }
0x71: {  	v4 =	vadd.s32 v1, v4;
	_ =	sdelay $0x4  }
0x72: {  	[tilespmem:s30], [sflag:$0x1] =	stream.indirect_vreg.gather [hbm4b:s26+s3], $0x80, v4, vm0, $0xb8;
	[tilespmem:$0x10080] =	vst v63  }
0x73: {  	_ = 	snop  }
0x74: {  	[tilespmem:s2], [sflag:$0x1] =	stream.indirect_vreg.gather [hbm4b:s4+s3], $0x80, v4, vm0, $0xb8;
	[tilespmem:$0x10080] =	vst v63  }
0x75: {  	_ = 	snop  }
0x76: {  	[tilespmem:s14], [sflag:$0x1] =	stream.indirect_vreg.gather [hbm4b:s5+s3], $0x80, v4, vm0, $0xb8;
	[tilespmem:$0x10080] =	vst v63  }
0x77: {  	_ = 	snop  }
0x78: {  	[tilespmem:s15], [sflag:$0x1] =	stream.indirect_vreg.gather [hbm4b:s6+s3], $0x80, v4, vm0, $0xb8;
	[tilespmem:$0x10080] =	vst v63  }
0x79: {  	_ = 	snop  }
0x7a: {  	[tilespmem:s16], [sflag:$0x1] =	stream.indirect_vreg.gather [hbm4b:s7+s3], $0x80, v4, vm0, $0xb8;
	[tilespmem:$0x10080] =	vst v63  }
0x7b: {  	v3 =	vperm.xlane v3, v2  }
0x7c: {  	[tilespmem:s17], [sflag:$0x1] =	stream.indirect_vreg.gather [hbm4b:s8+s3], $0x80, v4, vm0, $0xb8;
	[tilespmem:$0x10080] =	vst v63  }
0x7d: {  	v3 =	vadd.s32 v1, v3  }
0x7e: {  	[tilespmem:s18], [sflag:$0x1] =	stream.indirect_vreg.gather [hbm4b:s9+s3], $0x80, v4, vm0, $0xb8;
	[tilespmem:$0x10080] =	vst v63  }
0x7f: {  	_ = 	snop  }
0x80: {  	[tilespmem:s19], [sflag:$0x1] =	stream.indirect_vreg.gather [hbm4b:s10+s3], $0x80, v4, vm0, $0xb8;
	[tilespmem:$0x10080] =	vst v63  }
0x81: {  	_ = 	snop  }
0x82: {  	[tilespmem:s20], [sflag:$0x1] =	stream.indirect_vreg.gather [hbm4b:s26+s3], $0x80, v3, vm0, $0xb8;
	[tilespmem:$0x10080] =	vst v63  }
0x83: {  	_ = 	snop  }
0x84: {  	[tilespmem:s21], [sflag:$0x1] =	stream.indirect_vreg.gather [hbm4b:s4+s3], $0x80, v3, vm0, $0xb8;
	[tilespmem:$0x10080] =	vst v63  }
0x85: {  	_ = 	snop  }
0x86: {  	[tilespmem:s22], [sflag:$0x1] =	stream.indirect_vreg.gather [hbm4b:s5+s3], $0x80, v3, vm0, $0xb8;
	[tilespmem:$0x10080] =	vst v63  }
0x87: {  	_ = 	snop  }
0x88: {  	[tilespmem:s23], [sflag:$0x1] =	stream.indirect_vreg.gather [hbm4b:s6+s3], $0x80, v3, vm0, $0xb8;
	[tilespmem:$0x10080] =	vst v63  }
0x89: {  	_ = 	snop  }
0x8a: {  	[tilespmem:s24], [sflag:$0x1] =	stream.indirect_vreg.gather [hbm4b:s7+s3], $0x80, v3, vm0, $0xb8;
	[tilespmem:$0x10080] =	vst v63  }
0x8b: {  	_ = 	snop  }
0x8c: {  	[tilespmem:s25], [sflag:$0x1] =	stream.indirect_vreg.gather [hbm4b:s8+s3], $0x80, v3, vm0, $0xb8;
	[tilespmem:$0x10080] =	vst v63  }
0x8d: {  	_ = 	snop  }
0x8e: {  	[tilespmem:s12], [sflag:$0x1] =	stream.indirect_vreg.gather [hbm4b:s9+s3], $0x80, v3, vm0, $0xb8;
	[tilespmem:$0x10080] =	vst v63  }
0x8f: {  	s2 =	simm.s32 $0x2  }
0x90: {  	[tilespmem:s13], [sflag:$0x1] =	stream.indirect_vreg.gather [hbm4b:s10+s3], $0x80, v3, vm0, $0xb8;
	[tilespmem:$0x10080] =	vst v63  }
0x91: {  	_ =	swait.ge [sflag:s2], $0x8000  }
0x92: {  	[sflag:s2] =	ssyncset.done $0x0  }
0x93: {  	s0 =	rddreg [dreg:$0x6];
	[sflag:s2] =	ssyncadd.s32 $0xFFFF8000  }
0x94: {  	[hbm4b:s0+s3] =	stream.linear.scatter [tilespmem:s1], [sflag:$0x4], $0x8000, $0x38;
	[tilespmem:$0x10080] =	vst v63  }
0x95: {  	_ =	swait.ge [sflag:s31], $0x8000  }
0x96: {  	[sflag:s31] =	ssyncset.done $0x0  }
0x97: {  	[sflag:s31] =	ssyncadd.s32 $0xFFFF8000  }
0x98: {  	v3 =	vld [tilespmem:$0x30];
	_ =	sdelay $0x4  }
0x99: {  	v63 =	vshll.u32 v3, $0x4  }
0x9a: {  	v3 =	vand.u32 $0x7, v3;
	v4 =	vand.u32 $0xFFFFFF80, v63  }
0x9b: {  	v3 =	vor.u32 v3, v4  }
0x9c: {  	v4 =	vperm.xlane v3, v0;
	_ =	sdelay $0x1  }
0x9d: {  	v4 =	vadd.s32 v1, v4;
	_ =	sdelay $0x4  }
0x9e: {  	[tilespmem:s1], [sflag:$0x2] =	stream.indirect_vreg.gather [hbm4b:s26+s3], $0x80, v4, vm0, $0xb8;
	[tilespmem:$0x10080] =	vst v63  }
0x9f: {  	s0 =	simm.s32 $0x8880  }
0xa0: {  	[tilespmem:s0], [sflag:$0x2] =	stream.indirect_vreg.gather [hbm4b:s4+s3], $0x80, v4, vm0, $0xb8;
	[tilespmem:$0x10080] =	vst v63  }
0xa1: {  	s0 =	simm.s32 $0x9080  }
0xa2: {  	[tilespmem:s0], [sflag:$0x2] =	stream.indirect_vreg.gather [hbm4b:s5+s3], $0x80, v4, vm0, $0xb8;
	[tilespmem:$0x10080] =	vst v63  }
0xa3: {  	s0 =	simm.s32 $0x9880  }
0xa4: {  	[tilespmem:s0], [sflag:$0x2] =	stream.indirect_vreg.gather [hbm4b:s6+s3], $0x80, v4, vm0, $0xb8;
	[tilespmem:$0x10080] =	vst v63  }
0xa5: {  	s0 =	simm.s32 $0xA080  }
0xa6: {  	[tilespmem:s0], [sflag:$0x2] =	stream.indirect_vreg.gather [hbm4b:s7+s3], $0x80, v4, vm0, $0xb8;
	[tilespmem:$0x10080] =	vst v63  }
0xa7: {  	v3 =	vperm.xlane v3, v2;
	s0 =	simm.s32 $0xA880  }
0xa8: {  	[tilespmem:s0], [sflag:$0x2] =	stream.indirect_vreg.gather [hbm4b:s8+s3], $0x80, v4, vm0, $0xb8;
	[tilespmem:$0x10080] =	vst v63  }
0xa9: {  	v3 =	vadd.s32 v1, v3;
	s0 =	simm.s32 $0xB080  }
0xaa: {  	[tilespmem:s0], [sflag:$0x2] =	stream.indirect_vreg.gather [hbm4b:s9+s3], $0x80, v4, vm0, $0xb8;
	[tilespmem:$0x10080] =	vst v63  }
0xab: {  	s0 =	simm.s32 $0xB880  }
0xac: {  	[tilespmem:s0], [sflag:$0x2] =	stream.indirect_vreg.gather [hbm4b:s10+s3], $0x80, v4, vm0, $0xb8;
	[tilespmem:$0x10080] =	vst v63  }
0xad: {  	s0 =	simm.s32 $0xC080  }
0xae: {  	[tilespmem:s0], [sflag:$0x2] =	stream.indirect_vreg.gather [hbm4b:s26+s3], $0x80, v3, vm0, $0xb8;
	[tilespmem:$0x10080] =	vst v63  }
0xaf: {  	s26 =	simm.s32 $0xC880  }
0xb0: {  	[tilespmem:s26], [sflag:$0x2] =	stream.indirect_vreg.gather [hbm4b:s4+s3], $0x80, v3, vm0, $0xb8;
	[tilespmem:$0x10080] =	vst v63  }
0xb1: {  	s26 =	simm.s32 $0xD080  }
0xb2: {  	[tilespmem:s26], [sflag:$0x2] =	stream.indirect_vreg.gather [hbm4b:s5+s3], $0x80, v3, vm0, $0xb8;
	[tilespmem:$0x10080] =	vst v63  }
0xb3: {  	s26 =	simm.s32 $0xD880  }
0xb4: {  	[tilespmem:s26], [sflag:$0x2] =	stream.indirect_vreg.gather [hbm4b:s6+s3], $0x80, v3, vm0, $0xb8;
	[tilespmem:$0x10080] =	vst v63  }
0xb5: {  	s26 =	simm.s32 $0xE080  }
0xb6: {  	[tilespmem:s26], [sflag:$0x2] =	stream.indirect_vreg.gather [hbm4b:s7+s3], $0x80, v3, vm0, $0xb8;
	[tilespmem:$0x10080] =	vst v63  }
0xb7: {  	s26 =	simm.s32 $0xE880  }
0xb8: {  	[tilespmem:s26], [sflag:$0x2] =	stream.indirect_vreg.gather [hbm4b:s8+s3], $0x80, v3, vm0, $0xb8;
	[tilespmem:$0x10080] =	vst v63  }
0xb9: {  	s26 =	simm.s32 $0xF080  }
0xba: {  	[tilespmem:s26], [sflag:$0x2] =	stream.indirect_vreg.gather [hbm4b:s9+s3], $0x80, v3, vm0, $0xb8;
	[tilespmem:$0x10080] =	vst v63  }
0xbb: {  	s26 =	simm.s32 $0xF880  }
0xbc: {  	[tilespmem:s26], [sflag:$0x2] =	stream.indirect_vreg.gather [hbm4b:s10+s3], $0x80, v3, vm0, $0xb8;
	[tilespmem:$0x10080] =	vst v63  }
0xbd: {  	_ =	swait.ge [sflag:s28], $0x8000  }
0xbe: {  	[sflag:s28] =	ssyncset.done $0x0  }
0xbf: {  	s26 =	rddreg [dreg:$0x7];
	[sflag:s28] =	ssyncadd.s32 $0xFFFF8000  }
0xc0: {  	[hbm4b:s26+s3] =	stream.linear.scatter [tilespmem:s30], [sflag:$0x3], $0x8000, $0x38;
	[tilespmem:$0x10080] =	vst v63  }
0xc1: {  	_ =	swait.ge [sflag:s2], $0x8000  }
0xc2: {  	[sflag:s2] =	ssyncset.done $0x0  }
0xc3: {  	s26 =	rddreg [dreg:$0x8];
	[sflag:s2] =	ssyncadd.s32 $0xFFFF8000  }
0xc4: {  	[hbm4b:s26+s3] =	stream.linear.scatter [tilespmem:s1], [sflag:$0x4], $0x8000, $0x38;
	[tilespmem:$0x10080] =	vst v63  }
0xc5: {  	p0 =	sne.s32 s11, $0x1;
	_ =	swait.ge [sflag:s29], $0x8000  }
.Ltmp0:
0xc6: {  	[sflag:s29] =	ssyncset.done $0x0;
	(pc) =	sbr.rel @p0 .LBB2_1-.Ltmp0, $4  }
0xc7: {  	[sflag:s29] =	ssyncadd.s32 $0xFFFF8000  }
0xc8: {  	_ =	swait.ge [sflag:s31], $0x8000  }
0xc9: {  	[sflag:s31] =	ssyncset.done $0x0  }
0xca: {  	s11 =	sadd.s32 $0xFFFFFFFF, s11;
	[sflag:s31] =	ssyncadd.s32 $0xFFFF8000  }
0xcb: {  	_ =	sfence.sel $0x180000  }
0xcc: {  	[bflag:$0x0] =	sbarrier.arrive $0xFFFF  }
0xcd: {  	_ =	strace $0x9000004A  }
0xce: {  	s0 =	stileid.u32;
	[bflag:$0x2] =	sbarrier.arrive $0xFFFF  }
0xcf: {  	p0 =	sne.s32 s0, $0x0;
	s0 =	rddreg [dreg:$0x3]  }
0xd0: {  	s0 =	sadd.s32 @!p0 $0x100000, s0  }
0xd1: {  	[sflag:s0] =	ssyncadd.tile.s32 @!p0 $0x1;
	_ =	shalt  }
.Lfunc_end2:
_tile_overlayer_lowered:
.L_overlay_start_2:
0xd2: {  	(tag) =	ssettag $0x2  }
0xd3: {  	s0 =	rddreg [dreg:$0x0];
	s2 =	stileid.u32  }
0xd4: {  	s1 =	rddreg [dreg:$0x1];
	p0 =	sne.s32 s2, $0x0  }
0xd5: {  	s3 =	rddreg [dreg:$0x2];
	[bflag:$0x3] =	sbarrier.arrive $0xFFFF;
	s2 =	simm.s32 @!p0 $0x1C05  }
0xd6: {  	[timem:s3], [sflag:s2] =	dma.local @!p0 [hbm:s0], s1  }
0xd7: {  	s0 =	simm.s32 @!p0 $0x5  }
0xd8: {  	_ =	swait.ge @!p0 [sflag:s0], s1  }
0xd9: {  	s1 =	ssub.s32 @!p0 $0x0, s1;
	[sflag:s0] =	ssyncset.done @!p0 $0x0  }
0xda: {  	[sflag:s0] =	ssyncadd.s32 @!p0 s1  }
0xdb: {  	[bflag:$0x3] =	sbarrier.arrive $0xFFFF  }
0xdc: {  	_ =	shalt  }

</sc_bundles>
